<compile_context>
chip_gen: v7x
topology: tpu7x:2x2x1
jax: 0.10.2.dev20260603
libtpu: 0.0.44.dev20260713+nightly
codegen_flags: <defaults>
</compile_context>

<pallas_src>
import functools

import jax
import jax.numpy as jnp
from jax import lax
from jax.experimental import pallas as pl
from jax.experimental.pallas import tpu as pltpu
from jax.experimental.pallas import tpu_sc as plsc

_NUM_MODEL = 1024
_MAX_LEN = 8192

_NC = 2
_NS = 16
_NW = _NC * _NS

_MESH = plsc.VectorSubcoreMesh(core_axis_name="c", subcore_axis_name="s")

_CHUNK_LENS = (64, 56, 64, 56, 16)
_CHUNK_OFFS = (0, 64, 120, 184, 240)
_BUF_LENS = (64, 56)


@functools.partial(
    pl.kernel,
    out_type=jax.ShapeDtypeStruct((_MAX_LEN, _NUM_MODEL), jnp.float32),
    mesh=_MESH,
    scratch_types=[
        pltpu.VMEM((_MAX_LEN // _NW,), jnp.int32),
        pltpu.VMEM((_BUF_LENS[0], _NUM_MODEL), jnp.float32),
        pltpu.VMEM((_BUF_LENS[1], _NUM_MODEL), jnp.float32),
        pltpu.SemaphoreType.DMA,
        pltpu.SemaphoreType.DMA,
        pltpu.SemaphoreType.DMA,
        pltpu.SemaphoreType.DMA,
    ],
)
def _pos_embed_gather(table_hbm, pos_hbm, out_hbm, idx_v, buf_a, buf_b,
                      gsem0, gsem1, ssem0, ssem1):
    b_per_w = _MAX_LEN // _NW
    wid = lax.axis_index("s") * _NC + lax.axis_index("c")
    base = wid * b_per_w
    pltpu.sync_copy(pos_hbm.at[pl.ds(base, b_per_w)], idx_v)

    bufs = (buf_a, buf_b)
    gsems = (gsem0, gsem1)
    ssems = (ssem0, ssem1)
    nchunk = len(_CHUNK_LENS)

    def gather(c):
        b = c % 2
        ln = _CHUNK_LENS[c]
        return pltpu.async_copy(
            table_hbm.at[idx_v.at[pl.ds(_CHUNK_OFFS[c], ln)]],
            bufs[b].at[pl.ds(0, ln)], gsems[b])

    def scatter(c):
        b = c % 2
        ln = _CHUNK_LENS[c]
        return pltpu.async_copy(
            bufs[b].at[pl.ds(0, ln)],
            out_hbm.at[pl.ds(base + _CHUNK_OFFS[c], ln)], ssems[b])

    gathers = [None] * nchunk
    scatters = [None] * nchunk
    gathers[0] = gather(0)
    gathers[1] = gather(1)
    for c in range(nchunk):
        if c >= 2:
            scatters[c - 2].wait()
            gathers[c] = gather(c)
        gathers[c].wait()
        scatters[c] = scatter(c)
    scatters[nchunk - 2].wait()
    scatters[nchunk - 1].wait()


def kernel(x, pos_embed_weight, position):
    seq_len = x.shape[1]
    pos = position.reshape(-1)[:seq_len].astype(jnp.int32)
    out = _pos_embed_gather(pos_embed_weight, pos)
    return out[None]

# --- scband reference (transcript-rebuilt; emitter-appended) ---
"""Pipeline reference for scband-position-embedding-learned-22935125360709 (READ-ONLY COPY).

The authoritative reference and input builder live on the scoring server;
editing this copy changes nothing except your own understanding.
"""

import jax, jax.numpy as jnp
import numpy as np
import math

NUM_MODEL = 1024
MAX_LEN = 8192

def setup_inputs(seed: int = 0) -> dict:
    key = jax.random.key(seed)
    kx, kw = jax.random.split(key)
    x = jax.random.normal(kx, (2, 8192, 1024), dtype=jnp.float32)
    # learned positional embedding table, kaiming-normal-ish init (fan_in = NUM_MODEL)
    std = math.sqrt(2.0 / NUM_MODEL)
    pos_embed_weight = jax.random.normal(kw, (MAX_LEN, NUM_MODEL), dtype=jnp.float32) * std
    # registered buffer: position = arange(max_len)[None, :]
    position = jnp.arange(0, MAX_LEN, dtype=jnp.int64 if jax.config.jax_enable_x64 else jnp.int32)[None, :]
    return {"x": x, "pos_embed_weight": pos_embed_weight, "position": position}

def reference(x, pos_embed_weight, position):
    # pos = self.position[:, :x.size(1)]
    seq_len = x.shape[1]
    pos = position[:, :seq_len]
    # return self.pos_embed(pos)  -> embedding gather
    out = jnp.take(pos_embed_weight, pos, axis=0)  # [1, seq_len, num_model]
    return out

if __name__ == "__main__":
    import jax
    _d = setup_inputs()
    print(jax.jit(kernel)(*tuple(_d.values())))

</pallas_src>

<mosaic_0001>
#map = affine_map<(d0, d1) -> (0, 0)>
#map1 = affine_map<(d0, d1) -> (0)>
module attributes {stable_mosaic.version = 14 : i64} {
  func.func @_pos_embed_gather(%arg0: i32, %arg1: i32, %arg2: memref<8192x1024xf32, #tpu.memory_space<hbm>>, %arg3: memref<8192xi32, #tpu.memory_space<hbm>>, %arg4: memref<8192x1024xf32, #tpu.memory_space<hbm>>, %arg5: memref<256xi32, #tpu.memory_space<vmem>>, %arg6: memref<64x1024xf32, #tpu.memory_space<vmem>>, %arg7: memref<56x1024xf32, #tpu.memory_space<vmem>>, %arg8: memref<!tpu.dma_semaphore, #tpu.memory_space<semaphore_mem>>, %arg9: memref<!tpu.dma_semaphore, #tpu.memory_space<semaphore_mem>>, %arg10: memref<!tpu.dma_semaphore, #tpu.memory_space<semaphore_mem>>, %arg11: memref<!tpu.dma_semaphore, #tpu.memory_space<semaphore_mem>>) attributes {dimension_semantics = [#tpu.dimension_semantics<core_parallel>, #tpu.dimension_semantics<subcore_parallel>], iteration_bounds = array<i64: 2, 16>, scalar_prefetch = 0 : i64, scratch_operands = 7 : i64, tpu.core_type = #tpu.core_type<sc_vector_subcore>, window_params = [{transform_indices = #map}, {transform_indices = #map1}, {transform_indices = #map}]} {
    %mul3A = arith.constant 2 : i32
    %mul3A_0 = arith.muli %arg1, %mul3A : i32
    %add3A = arith.addi %mul3A_0, %arg0 : i32
    %mul3A_1 = arith.constant 256 : i32
    %mul3A_2 = arith.muli %add3A, %mul3A_1 : i32
    "tpu.region"() ({
      %run_scoped3A = tpu.sem_alloc : memref<!tpu.dma_semaphore, #tpu.memory_space<semaphore_mem>>
      %dma_start3A_191 = tpu.memref_slice %arg3[%mul3A_2] : memref<8192xi32, #tpu.memory_space<hbm>> -> memref<256xi32, #tpu.memory_space<hbm>>
      %dma_start3A_192 = tpu.memref_slice %arg3[%mul3A_2] : memref<8192xi32, #tpu.memory_space<hbm>> -> memref<256xi32, #tpu.memory_space<hbm>>
      tpu.enqueue_dma source(%dma_start3A_192 : memref<256xi32, #tpu.memory_space<hbm>>) target(%arg5 : memref<256xi32, #tpu.memory_space<vmem>>) target_semaphore(%run_scoped3A : memref<!tpu.dma_semaphore, #tpu.memory_space<semaphore_mem>>)
      %dma_wait3A_193 = tpu.memref_slice %arg3[%mul3A_2] : memref<8192xi32, #tpu.memory_space<hbm>> -> memref<256xi32, #tpu.memory_space<hbm>>
      %dma_wait3A_194 = tpu.memref_slice %arg3[%mul3A_2] : memref<8192xi32, #tpu.memory_space<hbm>> -> memref<256xi32, #tpu.memory_space<hbm>>
      tpu.wait_dma2 semaphore(%run_scoped3A : memref<!tpu.dma_semaphore, #tpu.memory_space<semaphore_mem>>) src(%dma_wait3A_194 : memref<256xi32, #tpu.memory_space<hbm>>) dst(%arg5 : memref<256xi32, #tpu.memory_space<vmem>>)
      tpu.yield
    }) : () -> ()
    %dma_start3A = arith.constant 0 : i32
    %dma_start3A_3 = arith.constant 0 : i32
    %dma_start3A_4 = tpu.memref_slice %arg6[%dma_start3A, %dma_start3A_3] : memref<64x1024xf32, #tpu.memory_space<vmem>> -> memref<64x1024xf32, #tpu.memory_space<vmem>>
    %dma_start3A_5 = arith.constant 0 : i32
    %dma_start3A_6 = tpu.memref_slice %arg5[%dma_start3A_5] : memref<256xi32, #tpu.memory_space<vmem>> -> memref<64xi32, #tpu.memory_space<vmem>>
    %dma_start3A_7 = arith.constant 0 : i32
    %dma_start3A_8 = arith.constant 0 : i32
    %dma_start3A_9 = tpu.memref_slice %arg2[%dma_start3A_7, %dma_start3A_8] : memref<8192x1024xf32, #tpu.memory_space<hbm>> -> memref<8192x1024xf32, #tpu.memory_space<hbm>>
    tpu.enqueue_indirect_dma source(%dma_start3A_9 : memref<8192x1024xf32, #tpu.memory_space<hbm>>) target(%dma_start3A_4 : memref<64x1024xf32, #tpu.memory_space<vmem>>) offsets(%dma_start3A_6 : memref<64xi32, #tpu.memory_space<vmem>>) semaphore(%arg8 : memref<!tpu.dma_semaphore, #tpu.memory_space<semaphore_mem>>)
    %dma_start3A_10 = arith.constant 0 : i32
    %dma_start3A_11 = arith.constant 0 : i32
    %dma_start3A_12 = tpu.memref_slice %arg7[%dma_start3A_10, %dma_start3A_11] : memref<56x1024xf32, #tpu.memory_space<vmem>> -> memref<56x1024xf32, #tpu.memory_space<vmem>>
    %dma_start3A_13 = arith.constant 64 : i32
    %dma_start3A_14 = tpu.memref_slice %arg5[%dma_start3A_13] : memref<256xi32, #tpu.memory_space<vmem>> -> memref<56xi32, #tpu.memory_space<vmem>>
    %dma_start3A_15 = arith.constant 0 : i32
    %dma_start3A_16 = arith.constant 0 : i32
    %dma_start3A_17 = tpu.memref_slice %arg2[%dma_start3A_15, %dma_start3A_16] : memref<8192x1024xf32, #tpu.memory_space<hbm>> -> memref<8192x1024xf32, #tpu.memory_space<hbm>>
    tpu.enqueue_indirect_dma source(%dma_start3A_17 : memref<8192x1024xf32, #tpu.memory_space<hbm>>) target(%dma_start3A_12 : memref<56x1024xf32, #tpu.memory_space<vmem>>) offsets(%dma_start3A_14 : memref<56xi32, #tpu.memory_space<vmem>>) semaphore(%arg9 : memref<!tpu.dma_semaphore, #tpu.memory_space<semaphore_mem>>)
    %dma_wait3A = arith.constant 0 : i32
    %dma_wait3A_18 = arith.constant 0 : i32
    %dma_wait3A_19 = tpu.memref_slice %arg6[%dma_wait3A, %dma_wait3A_18] : memref<64x1024xf32, #tpu.memory_space<vmem>> -> memref<64x1024xf32, #tpu.memory_space<vmem>>
    %dma_wait3A_20 = arith.constant 0 : i32
    %dma_wait3A_21 = tpu.memref_slice %arg5[%dma_wait3A_20] : memref<256xi32, #tpu.memory_space<vmem>> -> memref<64xi32, #tpu.memory_space<vmem>>
    %dma_wait3A_22 = arith.constant 0 : i32
    %dma_wait3A_23 = arith.constant 0 : i32
    %dma_wait3A_24 = tpu.memref_slice %arg2[%dma_wait3A_22, %dma_wait3A_23] : memref<8192x1024xf32, #tpu.memory_space<hbm>> -> memref<8192x1024xf32, #tpu.memory_space<hbm>>
    tpu.wait_indirect_dma semaphore(%arg8 : memref<!tpu.dma_semaphore, #tpu.memory_space<semaphore_mem>>) src(%dma_wait3A_24 : memref<8192x1024xf32, #tpu.memory_space<hbm>>) dst(%dma_wait3A_19 : memref<64x1024xf32, #tpu.memory_space<vmem>>)
    %add3A_25 = arith.constant 0 : i32
    %add3A_26 = arith.addi %mul3A_2, %add3A_25 : i32
    %dma_start3A_27 = arith.constant 0 : i32
    %dma_start3A_28 = arith.constant 0 : i32
    %dma_start3A_29 = tpu.memref_slice %arg6[%dma_start3A_27, %dma_start3A_28] : memref<64x1024xf32, #tpu.memory_space<vmem>> -> memref<64x1024xf32, #tpu.memory_space<vmem>>
    %dma_start3A_30 = arith.constant 0 : i32
    %dma_start3A_31 = tpu.memref_slice %arg4[%add3A_26, %dma_start3A_30] : memref<8192x1024xf32, #tpu.memory_space<hbm>> -> memref<64x1024xf32, #tpu.memory_space<hbm>>
    %dma_start3A_32 = arith.constant 0 : i32
    %dma_start3A_33 = tpu.memref_slice %arg4[%add3A_26, %dma_start3A_32] : memref<8192x1024xf32, #tpu.memory_space<hbm>> -> memref<64x1024xf32, #tpu.memory_space<hbm>>
    %dma_start3A_34 = arith.constant 0 : i32
    %dma_start3A_35 = arith.constant 0 : i32
    %dma_start3A_36 = tpu.memref_slice %arg6[%dma_start3A_34, %dma_start3A_35] : memref<64x1024xf32, #tpu.memory_space<vmem>> -> memref<64x1024xf32, #tpu.memory_space<vmem>>
    tpu.enqueue_dma source(%dma_start3A_36 : memref<64x1024xf32, #tpu.memory_space<vmem>>) target(%dma_start3A_33 : memref<64x1024xf32, #tpu.memory_space<hbm>>) target_semaphore(%arg10 : memref<!tpu.dma_semaphore, #tpu.memory_space<semaphore_mem>>)
    %dma_wait3A_37 = arith.constant 0 : i32
    %dma_wait3A_38 = arith.constant 0 : i32
    %dma_wait3A_39 = tpu.memref_slice %arg7[%dma_wait3A_37, %dma_wait3A_38] : memref<56x1024xf32, #tpu.memory_space<vmem>> -> memref<56x1024xf32, #tpu.memory_space<vmem>>
    %dma_wait3A_40 = arith.constant 64 : i32
    %dma_wait3A_41 = tpu.memref_slice %arg5[%dma_wait3A_40] : memref<256xi32, #tpu.memory_space<vmem>> -> memref<56xi32, #tpu.memory_space<vmem>>
    %dma_wait3A_42 = arith.constant 0 : i32
    %dma_wait3A_43 = arith.constant 0 : i32
    %dma_wait3A_44 = tpu.memref_slice %arg2[%dma_wait3A_42, %dma_wait3A_43] : memref<8192x1024xf32, #tpu.memory_space<hbm>> -> memref<8192x1024xf32, #tpu.memory_space<hbm>>
    tpu.wait_indirect_dma semaphore(%arg9 : memref<!tpu.dma_semaphore, #tpu.memory_space<semaphore_mem>>) src(%dma_wait3A_44 : memref<8192x1024xf32, #tpu.memory_space<hbm>>) dst(%dma_wait3A_39 : memref<56x1024xf32, #tpu.memory_space<vmem>>)
    %add3A_45 = arith.constant 64 : i32
    %add3A_46 = arith.addi %mul3A_2, %add3A_45 : i32
    %dma_start3A_47 = arith.constant 0 : i32
    %dma_start3A_48 = arith.constant 0 : i32
    %dma_start3A_49 = tpu.memref_slice %arg7[%dma_start3A_47, %dma_start3A_48] : memref<56x1024xf32, #tpu.memory_space<vmem>> -> memref<56x1024xf32, #tpu.memory_space<vmem>>
    %dma_start3A_50 = arith.constant 0 : i32
    %dma_start3A_51 = tpu.memref_slice %arg4[%add3A_46, %dma_start3A_50] : memref<8192x1024xf32, #tpu.memory_space<hbm>> -> memref<56x1024xf32, #tpu.memory_space<hbm>>
    %dma_start3A_52 = arith.constant 0 : i32
    %dma_start3A_53 = tpu.memref_slice %arg4[%add3A_46, %dma_start3A_52] : memref<8192x1024xf32, #tpu.memory_space<hbm>> -> memref<56x1024xf32, #tpu.memory_space<hbm>>
    %dma_start3A_54 = arith.constant 0 : i32
    %dma_start3A_55 = arith.constant 0 : i32
    %dma_start3A_56 = tpu.memref_slice %arg7[%dma_start3A_54, %dma_start3A_55] : memref<56x1024xf32, #tpu.memory_space<vmem>> -> memref<56x1024xf32, #tpu.memory_space<vmem>>
    tpu.enqueue_dma source(%dma_start3A_56 : memref<56x1024xf32, #tpu.memory_space<vmem>>) target(%dma_start3A_53 : memref<56x1024xf32, #tpu.memory_space<hbm>>) target_semaphore(%arg11 : memref<!tpu.dma_semaphore, #tpu.memory_space<semaphore_mem>>)
    %dma_wait3A_57 = arith.constant 0 : i32
    %dma_wait3A_58 = arith.constant 0 : i32
    %dma_wait3A_59 = tpu.memref_slice %arg6[%dma_wait3A_57, %dma_wait3A_58] : memref<64x1024xf32, #tpu.memory_space<vmem>> -> memref<64x1024xf32, #tpu.memory_space<vmem>>
    %dma_wait3A_60 = arith.constant 0 : i32
    %dma_wait3A_61 = tpu.memref_slice %arg4[%add3A_26, %dma_wait3A_60] : memref<8192x1024xf32, #tpu.memory_space<hbm>> -> memref<64x1024xf32, #tpu.memory_space<hbm>>
    %dma_wait3A_62 = arith.constant 0 : i32
    %dma_wait3A_63 = tpu.memref_slice %arg4[%add3A_26, %dma_wait3A_62] : memref<8192x1024xf32, #tpu.memory_space<hbm>> -> memref<64x1024xf32, #tpu.memory_space<hbm>>
    %dma_wait3A_64 = arith.constant 0 : i32
    %dma_wait3A_65 = arith.constant 0 : i32
    %dma_wait3A_66 = tpu.memref_slice %arg6[%dma_wait3A_64, %dma_wait3A_65] : memref<64x1024xf32, #tpu.memory_space<vmem>> -> memref<64x1024xf32, #tpu.memory_space<vmem>>
    tpu.wait_dma2 semaphore(%arg10 : memref<!tpu.dma_semaphore, #tpu.memory_space<semaphore_mem>>) src(%dma_wait3A_66 : memref<64x1024xf32, #tpu.memory_space<vmem>>) dst(%dma_wait3A_63 : memref<64x1024xf32, #tpu.memory_space<hbm>>)
    %dma_start3A_67 = arith.constant 0 : i32
    %dma_start3A_68 = arith.constant 0 : i32
    %dma_start3A_69 = tpu.memref_slice %arg6[%dma_start3A_67, %dma_start3A_68] : memref<64x1024xf32, #tpu.memory_space<vmem>> -> memref<64x1024xf32, #tpu.memory_space<vmem>>
    %dma_start3A_70 = arith.constant 120 : i32
    %dma_start3A_71 = tpu.memref_slice %arg5[%dma_start3A_70] : memref<256xi32, #tpu.memory_space<vmem>> -> memref<64xi32, #tpu.memory_space<vmem>>
    %dma_start3A_72 = arith.constant 0 : i32
    %dma_start3A_73 = arith.constant 0 : i32
    %dma_start3A_74 = tpu.memref_slice %arg2[%dma_start3A_72, %dma_start3A_73] : memref<8192x1024xf32, #tpu.memory_space<hbm>> -> memref<8192x1024xf32, #tpu.memory_space<hbm>>
    tpu.enqueue_indirect_dma source(%dma_start3A_74 : memref<8192x1024xf32, #tpu.memory_space<hbm>>) target(%dma_start3A_69 : memref<64x1024xf32, #tpu.memory_space<vmem>>) offsets(%dma_start3A_71 : memref<64xi32, #tpu.memory_space<vmem>>) semaphore(%arg8 : memref<!tpu.dma_semaphore, #tpu.memory_space<semaphore_mem>>)
    %dma_wait3A_75 = arith.constant 0 : i32
    %dma_wait3A_76 = arith.constant 0 : i32
    %dma_wait3A_77 = tpu.memref_slice %arg6[%dma_wait3A_75, %dma_wait3A_76] : memref<64x1024xf32, #tpu.memory_space<vmem>> -> memref<64x1024xf32, #tpu.memory_space<vmem>>
    %dma_wait3A_78 = arith.constant 120 : i32
    %dma_wait3A_79 = tpu.memref_slice %arg5[%dma_wait3A_78] : memref<256xi32, #tpu.memory_space<vmem>> -> memref<64xi32, #tpu.memory_space<vmem>>
    %dma_wait3A_80 = arith.constant 0 : i32
    %dma_wait3A_81 = arith.constant 0 : i32
    %dma_wait3A_82 = tpu.memref_slice %arg2[%dma_wait3A_80, %dma_wait3A_81] : memref<8192x1024xf32, #tpu.memory_space<hbm>> -> memref<8192x1024xf32, #tpu.memory_space<hbm>>
    tpu.wait_indirect_dma semaphore(%arg8 : memref<!tpu.dma_semaphore, #tpu.memory_space<semaphore_mem>>) src(%dma_wait3A_82 : memref<8192x1024xf32, #tpu.memory_space<hbm>>) dst(%dma_wait3A_77 : memref<64x1024xf32, #tpu.memory_space<vmem>>)
    %add3A_83 = arith.constant 120 : i32
    %add3A_84 = arith.addi %mul3A_2, %add3A_83 : i32
    %dma_start3A_85 = arith.constant 0 : i32
    %dma_start3A_86 = arith.constant 0 : i32
    %dma_start3A_87 = tpu.memref_slice %arg6[%dma_start3A_85, %dma_start3A_86] : memref<64x1024xf32, #tpu.memory_space<vmem>> -> memref<64x1024xf32, #tpu.memory_space<vmem>>
    %dma_start3A_88 = arith.constant 0 : i32
    %dma_start3A_89 = tpu.memref_slice %arg4[%add3A_84, %dma_start3A_88] : memref<8192x1024xf32, #tpu.memory_space<hbm>> -> memref<64x1024xf32, #tpu.memory_space<hbm>>
    %dma_start3A_90 = arith.constant 0 : i32
    %dma_start3A_91 = tpu.memref_slice %arg4[%add3A_84, %dma_start3A_90] : memref<8192x1024xf32, #tpu.memory_space<hbm>> -> memref<64x1024xf32, #tpu.memory_space<hbm>>
    %dma_start3A_92 = arith.constant 0 : i32
    %dma_start3A_93 = arith.constant 0 : i32
    %dma_start3A_94 = tpu.memref_slice %arg6[%dma_start3A_92, %dma_start3A_93] : memref<64x1024xf32, #tpu.memory_space<vmem>> -> memref<64x1024xf32, #tpu.memory_space<vmem>>
    tpu.enqueue_dma source(%dma_start3A_94 : memref<64x1024xf32, #tpu.memory_space<vmem>>) target(%dma_start3A_91 : memref<64x1024xf32, #tpu.memory_space<hbm>>) target_semaphore(%arg10 : memref<!tpu.dma_semaphore, #tpu.memory_space<semaphore_mem>>)
    %dma_wait3A_95 = arith.constant 0 : i32
    %dma_wait3A_96 = arith.constant 0 : i32
    %dma_wait3A_97 = tpu.memref_slice %arg7[%dma_wait3A_95, %dma_wait3A_96] : memref<56x1024xf32, #tpu.memory_space<vmem>> -> memref<56x1024xf32, #tpu.memory_space<vmem>>
    %dma_wait3A_98 = arith.constant 0 : i32
    %dma_wait3A_99 = tpu.memref_slice %arg4[%add3A_46, %dma_wait3A_98] : memref<8192x1024xf32, #tpu.memory_space<hbm>> -> memref<56x1024xf32, #tpu.memory_space<hbm>>
    %dma_wait3A_100 = arith.constant 0 : i32
    %dma_wait3A_101 = tpu.memref_slice %arg4[%add3A_46, %dma_wait3A_100] : memref<8192x1024xf32, #tpu.memory_space<hbm>> -> memref<56x1024xf32, #tpu.memory_space<hbm>>
    %dma_wait3A_102 = arith.constant 0 : i32
    %dma_wait3A_103 = arith.constant 0 : i32
    %dma_wait3A_104 = tpu.memref_slice %arg7[%dma_wait3A_102, %dma_wait3A_103] : memref<56x1024xf32, #tpu.memory_space<vmem>> -> memref<56x1024xf32, #tpu.memory_space<vmem>>
    tpu.wait_dma2 semaphore(%arg11 : memref<!tpu.dma_semaphore, #tpu.memory_space<semaphore_mem>>) src(%dma_wait3A_104 : memref<56x1024xf32, #tpu.memory_space<vmem>>) dst(%dma_wait3A_101 : memref<56x1024xf32, #tpu.memory_space<hbm>>)
    %dma_start3A_105 = arith.constant 0 : i32
    %dma_start3A_106 = arith.constant 0 : i32
    %dma_start3A_107 = tpu.memref_slice %arg7[%dma_start3A_105, %dma_start3A_106] : memref<56x1024xf32, #tpu.memory_space<vmem>> -> memref<56x1024xf32, #tpu.memory_space<vmem>>
    %dma_start3A_108 = arith.constant 184 : i32
    %dma_start3A_109 = tpu.memref_slice %arg5[%dma_start3A_108] : memref<256xi32, #tpu.memory_space<vmem>> -> memref<56xi32, #tpu.memory_space<vmem>>
    %dma_start3A_110 = arith.constant 0 : i32
    %dma_start3A_111 = arith.constant 0 : i32
    %dma_start3A_112 = tpu.memref_slice %arg2[%dma_start3A_110, %dma_start3A_111] : memref<8192x1024xf32, #tpu.memory_space<hbm>> -> memref<8192x1024xf32, #tpu.memory_space<hbm>>
    tpu.enqueue_indirect_dma source(%dma_start3A_112 : memref<8192x1024xf32, #tpu.memory_space<hbm>>) target(%dma_start3A_107 : memref<56x1024xf32, #tpu.memory_space<vmem>>) offsets(%dma_start3A_109 : memref<56xi32, #tpu.memory_space<vmem>>) semaphore(%arg9 : memref<!tpu.dma_semaphore, #tpu.memory_space<semaphore_mem>>)
    %dma_wait3A_113 = arith.constant 0 : i32
    %dma_wait3A_114 = arith.constant 0 : i32
    %dma_wait3A_115 = tpu.memref_slice %arg7[%dma_wait3A_113, %dma_wait3A_114] : memref<56x1024xf32, #tpu.memory_space<vmem>> -> memref<56x1024xf32, #tpu.memory_space<vmem>>
    %dma_wait3A_116 = arith.constant 184 : i32
    %dma_wait3A_117 = tpu.memref_slice %arg5[%dma_wait3A_116] : memref<256xi32, #tpu.memory_space<vmem>> -> memref<56xi32, #tpu.memory_space<vmem>>
    %dma_wait3A_118 = arith.constant 0 : i32
    %dma_wait3A_119 = arith.constant 0 : i32
    %dma_wait3A_120 = tpu.memref_slice %arg2[%dma_wait3A_118, %dma_wait3A_119] : memref<8192x1024xf32, #tpu.memory_space<hbm>> -> memref<8192x1024xf32, #tpu.memory_space<hbm>>
    tpu.wait_indirect_dma semaphore(%arg9 : memref<!tpu.dma_semaphore, #tpu.memory_space<semaphore_mem>>) src(%dma_wait3A_120 : memref<8192x1024xf32, #tpu.memory_space<hbm>>) dst(%dma_wait3A_115 : memref<56x1024xf32, #tpu.memory_space<vmem>>)
    %add3A_121 = arith.constant 184 : i32
    %add3A_122 = arith.addi %mul3A_2, %add3A_121 : i32
    %dma_start3A_123 = arith.constant 0 : i32
    %dma_start3A_124 = arith.constant 0 : i32
    %dma_start3A_125 = tpu.memref_slice %arg7[%dma_start3A_123, %dma_start3A_124] : memref<56x1024xf32, #tpu.memory_space<vmem>> -> memref<56x1024xf32, #tpu.memory_space<vmem>>
    %dma_start3A_126 = arith.constant 0 : i32
    %dma_start3A_127 = tpu.memref_slice %arg4[%add3A_122, %dma_start3A_126] : memref<8192x1024xf32, #tpu.memory_space<hbm>> -> memref<56x1024xf32, #tpu.memory_space<hbm>>
    %dma_start3A_128 = arith.constant 0 : i32
    %dma_start3A_129 = tpu.memref_slice %arg4[%add3A_122, %dma_start3A_128] : memref<8192x1024xf32, #tpu.memory_space<hbm>> -> memref<56x1024xf32, #tpu.memory_space<hbm>>
    %dma_start3A_130 = arith.constant 0 : i32
    %dma_start3A_131 = arith.constant 0 : i32
    %dma_start3A_132 = tpu.memref_slice %arg7[%dma_start3A_130, %dma_start3A_131] : memref<56x1024xf32, #tpu.memory_space<vmem>> -> memref<56x1024xf32, #tpu.memory_space<vmem>>
    tpu.enqueue_dma source(%dma_start3A_132 : memref<56x1024xf32, #tpu.memory_space<vmem>>) target(%dma_start3A_129 : memref<56x1024xf32, #tpu.memory_space<hbm>>) target_semaphore(%arg11 : memref<!tpu.dma_semaphore, #tpu.memory_space<semaphore_mem>>)
    %dma_wait3A_133 = arith.constant 0 : i32
    %dma_wait3A_134 = arith.constant 0 : i32
    %dma_wait3A_135 = tpu.memref_slice %arg6[%dma_wait3A_133, %dma_wait3A_134] : memref<64x1024xf32, #tpu.memory_space<vmem>> -> memref<64x1024xf32, #tpu.memory_space<vmem>>
    %dma_wait3A_136 = arith.constant 0 : i32
    %dma_wait3A_137 = tpu.memref_slice %arg4[%add3A_84, %dma_wait3A_136] : memref<8192x1024xf32, #tpu.memory_space<hbm>> -> memref<64x1024xf32, #tpu.memory_space<hbm>>
    %dma_wait3A_138 = arith.constant 0 : i32
    %dma_wait3A_139 = tpu.memref_slice %arg4[%add3A_84, %dma_wait3A_138] : memref<8192x1024xf32, #tpu.memory_space<hbm>> -> memref<64x1024xf32, #tpu.memory_space<hbm>>
    %dma_wait3A_140 = arith.constant 0 : i32
    %dma_wait3A_141 = arith.constant 0 : i32
    %dma_wait3A_142 = tpu.memref_slice %arg6[%dma_wait3A_140, %dma_wait3A_141] : memref<64x1024xf32, #tpu.memory_space<vmem>> -> memref<64x1024xf32, #tpu.memory_space<vmem>>
    tpu.wait_dma2 semaphore(%arg10 : memref<!tpu.dma_semaphore, #tpu.memory_space<semaphore_mem>>) src(%dma_wait3A_142 : memref<64x1024xf32, #tpu.memory_space<vmem>>) dst(%dma_wait3A_139 : memref<64x1024xf32, #tpu.memory_space<hbm>>)
    %dma_start3A_143 = arith.constant 0 : i32
    %dma_start3A_144 = arith.constant 0 : i32
    %dma_start3A_145 = tpu.memref_slice %arg6[%dma_start3A_143, %dma_start3A_144] : memref<64x1024xf32, #tpu.memory_space<vmem>> -> memref<16x1024xf32, #tpu.memory_space<vmem>>
    %dma_start3A_146 = arith.constant 240 : i32
    %dma_start3A_147 = tpu.memref_slice %arg5[%dma_start3A_146] : memref<256xi32, #tpu.memory_space<vmem>> -> memref<16xi32, #tpu.memory_space<vmem>>
    %dma_start3A_148 = arith.constant 0 : i32
    %dma_start3A_149 = arith.constant 0 : i32
    %dma_start3A_150 = tpu.memref_slice %arg2[%dma_start3A_148, %dma_start3A_149] : memref<8192x1024xf32, #tpu.memory_space<hbm>> -> memref<8192x1024xf32, #tpu.memory_space<hbm>>
    tpu.enqueue_indirect_dma source(%dma_start3A_150 : memref<8192x1024xf32, #tpu.memory_space<hbm>>) target(%dma_start3A_145 : memref<16x1024xf32, #tpu.memory_space<vmem>>) offsets(%dma_start3A_147 : memref<16xi32, #tpu.memory_space<vmem>>) semaphore(%arg8 : memref<!tpu.dma_semaphore, #tpu.memory_space<semaphore_mem>>)
    %dma_wait3A_151 = arith.constant 0 : i32
    %dma_wait3A_152 = arith.constant 0 : i32
    %dma_wait3A_153 = tpu.memref_slice %arg6[%dma_wait3A_151, %dma_wait3A_152] : memref<64x1024xf32, #tpu.memory_space<vmem>> -> memref<16x1024xf32, #tpu.memory_space<vmem>>
    %dma_wait3A_154 = arith.constant 240 : i32
    %dma_wait3A_155 = tpu.memref_slice %arg5[%dma_wait3A_154] : memref<256xi32, #tpu.memory_space<vmem>> -> memref<16xi32, #tpu.memory_space<vmem>>
    %dma_wait3A_156 = arith.constant 0 : i32
    %dma_wait3A_157 = arith.constant 0 : i32
    %dma_wait3A_158 = tpu.memref_slice %arg2[%dma_wait3A_156, %dma_wait3A_157] : memref<8192x1024xf32, #tpu.memory_space<hbm>> -> memref<8192x1024xf32, #tpu.memory_space<hbm>>
    tpu.wait_indirect_dma semaphore(%arg8 : memref<!tpu.dma_semaphore, #tpu.memory_space<semaphore_mem>>) src(%dma_wait3A_158 : memref<8192x1024xf32, #tpu.memory_space<hbm>>) dst(%dma_wait3A_153 : memref<16x1024xf32, #tpu.memory_space<vmem>>)
    %add3A_159 = arith.constant 240 : i32
    %add3A_160 = arith.addi %mul3A_2, %add3A_159 : i32
    %dma_start3A_161 = arith.constant 0 : i32
    %dma_start3A_162 = arith.constant 0 : i32
    %dma_start3A_163 = tpu.memref_slice %arg6[%dma_start3A_161, %dma_start3A_162] : memref<64x1024xf32, #tpu.memory_space<vmem>> -> memref<16x1024xf32, #tpu.memory_space<vmem>>
    %dma_start3A_164 = arith.constant 0 : i32
    %dma_start3A_165 = tpu.memref_slice %arg4[%add3A_160, %dma_start3A_164] : memref<8192x1024xf32, #tpu.memory_space<hbm>> -> memref<16x1024xf32, #tpu.memory_space<hbm>>
    %dma_start3A_166 = arith.constant 0 : i32
    %dma_start3A_167 = tpu.memref_slice %arg4[%add3A_160, %dma_start3A_166] : memref<8192x1024xf32, #tpu.memory_space<hbm>> -> memref<16x1024xf32, #tpu.memory_space<hbm>>
    %dma_start3A_168 = arith.constant 0 : i32
    %dma_start3A_169 = arith.constant 0 : i32
    %dma_start3A_170 = tpu.memref_slice %arg6[%dma_start3A_168, %dma_start3A_169] : memref<64x1024xf32, #tpu.memory_space<vmem>> -> memref<16x1024xf32, #tpu.memory_space<vmem>>
    tpu.enqueue_dma source(%dma_start3A_170 : memref<16x1024xf32, #tpu.memory_space<vmem>>) target(%dma_start3A_167 : memref<16x1024xf32, #tpu.memory_space<hbm>>) target_semaphore(%arg10 : memref<!tpu.dma_semaphore, #tpu.memory_space<semaphore_mem>>)
    %dma_wait3A_171 = arith.constant 0 : i32
    %dma_wait3A_172 = arith.constant 0 : i32
    %dma_wait3A_173 = tpu.memref_slice %arg7[%dma_wait3A_171, %dma_wait3A_172] : memref<56x1024xf32, #tpu.memory_space<vmem>> -> memref<56x1024xf32, #tpu.memory_space<vmem>>
    %dma_wait3A_174 = arith.constant 0 : i32
    %dma_wait3A_175 = tpu.memref_slice %arg4[%add3A_122, %dma_wait3A_174] : memref<8192x1024xf32, #tpu.memory_space<hbm>> -> memref<56x1024xf32, #tpu.memory_space<hbm>>
    %dma_wait3A_176 = arith.constant 0 : i32
    %dma_wait3A_177 = tpu.memref_slice %arg4[%add3A_122, %dma_wait3A_176] : memref<8192x1024xf32, #tpu.memory_space<hbm>> -> memref<56x1024xf32, #tpu.memory_space<hbm>>
    %dma_wait3A_178 = arith.constant 0 : i32
    %dma_wait3A_179 = arith.constant 0 : i32
    %dma_wait3A_180 = tpu.memref_slice %arg7[%dma_wait3A_178, %dma_wait3A_179] : memref<56x1024xf32, #tpu.memory_space<vmem>> -> memref<56x1024xf32, #tpu.memory_space<vmem>>
    tpu.wait_dma2 semaphore(%arg11 : memref<!tpu.dma_semaphore, #tpu.memory_space<semaphore_mem>>) src(%dma_wait3A_180 : memref<56x1024xf32, #tpu.memory_space<vmem>>) dst(%dma_wait3A_177 : memref<56x1024xf32, #tpu.memory_space<hbm>>)
    %dma_wait3A_181 = arith.constant 0 : i32
    %dma_wait3A_182 = arith.constant 0 : i32
    %dma_wait3A_183 = tpu.memref_slice %arg6[%dma_wait3A_181, %dma_wait3A_182] : memref<64x1024xf32, #tpu.memory_space<vmem>> -> memref<16x1024xf32, #tpu.memory_space<vmem>>
    %dma_wait3A_184 = arith.constant 0 : i32
    %dma_wait3A_185 = tpu.memref_slice %arg4[%add3A_160, %dma_wait3A_184] : memref<8192x1024xf32, #tpu.memory_space<hbm>> -> memref<16x1024xf32, #tpu.memory_space<hbm>>
    %dma_wait3A_186 = arith.constant 0 : i32
    %dma_wait3A_187 = tpu.memref_slice %arg4[%add3A_160, %dma_wait3A_186] : memref<8192x1024xf32, #tpu.memory_space<hbm>> -> memref<16x1024xf32, #tpu.memory_space<hbm>>
    %dma_wait3A_188 = arith.constant 0 : i32
    %dma_wait3A_189 = arith.constant 0 : i32
    %dma_wait3A_190 = tpu.memref_slice %arg6[%dma_wait3A_188, %dma_wait3A_189] : memref<64x1024xf32, #tpu.memory_space<vmem>> -> memref<16x1024xf32, #tpu.memory_space<vmem>>
    tpu.wait_dma2 semaphore(%arg10 : memref<!tpu.dma_semaphore, #tpu.memory_space<semaphore_mem>>) src(%dma_wait3A_190 : memref<16x1024xf32, #tpu.memory_space<vmem>>) dst(%dma_wait3A_187 : memref<16x1024xf32, #tpu.memory_space<hbm>>)
    return
  }
}

</mosaic_0001>

<sc_bundles>
// kernel: kernel.3.cloned.1.call-start
scs
__scs_entry_jumppad:
0x0: {  	(pc) =	sbr.rel $0x88, $3  }
0x1: {  	(tag) =	ssettag $0x0;
	lr =	simm.s32 $0x1  }
0x2: {  	[smem:$0x3F9F] =	sst lr;
	_ =	strace $0xD0000000  }
0x3: {  	_ = 	snop  }
0x4: {  	_ = 	snop  }
0x5: {  	_ = 	snop  }
0x6: {  	_ = 	snop  }
0x7: {  	_ = 	snop  }
__scs_overlays_trampoline_lowered:
0x8: {  	[smem:$0x3FAE] =	sst s0  }
0x9: {  	[smem:$0x3FAF] =	sst s1  }
0xa: {  	[smem:$0x3FB0] =	sst s2  }
0xb: {  	[smem:$0x3FB1] =	sst s3  }
0xc: {  	[smem:$0x3FB2] =	sst s4  }
0xd: {  	[smem:$0x3FB3] =	sst s5  }
0xe: {  	[smem:$0x3FB4] =	sst s6  }
0xf: {  	[smem:$0x3FB5] =	sst s7  }
0x10: {  	[smem:$0x3FB6] =	sst s8  }
0x11: {  	[smem:$0x3FB7] =	sst s9;
	s0 =	simm.s32 @!p0 $0x0  }
0x12: {  	s1 =	sld [smem:$0x3F9D];
	s0 =	simm.s32 @p0 $0x1  }
0x13: {  	[smem:$0x3FB8] =	sst s0;
	s0 =	simm.s32 @!p1 $0x0  }
0x14: {  	s2 =	sld [smem:$0x3F9C];
	s0 =	simm.s32 @p1 $0x1  }
0x15: {  	[smem:$0x3FB9] =	sst s0;
	s0 =	simm.s32 @!p2 $0x0  }
0x16: {  	s3 =	sld [smem:$0x3FDB];
	s0 =	simm.s32 @p2 $0x1  }
0x17: {  	s4 =	simm.s32 $0x1BF5;
	[smem:$0x3FBB] =	sst s0  }
0x18: {  	s0 =	sld [smem:$0x3F9E];
	_ =	swait.ge [sflag:s4], $0x0  }
0x19: {  	s7 =	sld [smem:$0x3F9F]  }
0x1a: {  	s8 =	sadd.s32 $0xFFFFE003, lr  }
0x1b: {  	s9 =	sadd.s32 $0xFFFFFEF7, lr;
	s5 =	simm.s32 $0xFFFFFFFF;
	p2 =	slt.u32 s8, $0xFFFFF086  }
0x1c: {  	p1 =	slt.u32 s9, $0xF7A;
	s5 =	simm.s32 @!p2 $0x0  }
0x1d: {  	s5 =	simm.s32 @p1 $0x1;
	p0 =	seq.s32 s7, s2  }
0x1e: {  	s7 =	smul.u32 @!p0 $0xF7A, s2;
	p2 =	seq.s32 @!p0 s5, $0x0  }
0x1f: {  	s9 =	smul.u32 $0xF7A, s1;
	s8 =	simm.s32 @!p0 $0x1BF5;
	p2 =	por !p2, p0  }
0x20: {  	[sflag:s8] =	ssyncset.s32 @!p0 $0xFFFFF086;
	s6 =	sadd.s32 @!p0 s3, s7;
	s7 =	simm.s32 @!p0 $0x108  }
0x21: {  	s3 =	sadd.s32 s3, s9;
	s6 =	sadd.s32 @!p0 $0x88, s6;
	s7 =	simm.s32 @p2 $0x1082  }
0x22: {  	[simem:s7], [sflag:s8] =	dma.local @!p0 [hbm:s6], $0xF7A  }
0x23: {  	s9 =	sor.u32 $0xD0000000, s2;
	s6 =	simm.s32 $0x108;
	_ =	swait.ge @!p0 [sflag:s8], $0x0  }
0x24: {  	s3 =	sadd.s32 $0x88, s3;
	s6 =	simm.s32 @!p1 $0x1082;
	[sflag:s4] =	ssyncset.s32 $0xFFFFF086  }
0x25: {  	[simem:s6], [sflag:s4] =	dma.local [hbm:s3], $0xF7A  }
0x26: {  	[smem:$0x3F9F] =	sst s1;
	(tag) =	ssettag s2;
	_ =	strace s9  }
0x27: {  	s1 =	sld [smem:$0x3FAF]  }
0x28: {  	s2 =	sld [smem:$0x3FB0]  }
0x29: {  	s4 =	sld [smem:$0x3FB2]  }
0x2a: {  	p0 =	seq.s32 s5, $0x0;
	s5 =	sld [smem:$0x3FB3]  }
0x2b: {  	s6 =	sld [smem:$0x3FB4]  }
0x2c: {  	s7 =	sld [smem:$0x3FB5]  }
0x2d: {  	s3 =	simm.s32 $0x108;
	s8 =	sld [smem:$0x3FB6]  }
0x2e: {  	s3 =	simm.s32 @!p0 $0x1082;
	s9 =	sld [smem:$0x3FB7]  }
0x2f: {  	lr =	sadd.s32 s0, s3;
	s0 =	sld [smem:$0x3FAE]  }
0x30: {  	s3 =	sld [smem:$0x3FB1]  }
0x31: {  	[smem:$0x3FBA] =	sst s10  }
0x32: {  	s10 =	sld [smem:$0x3FB8];
	_ =	sdelay $0x3  }
0x33: {  	p0 =	seq.s32 s10, $0x1;
	s10 =	sld [smem:$0x3FBA];
	_ =	sdelay $0x3  }
0x34: {  	[smem:$0x3FBA] =	sst s10  }
0x35: {  	s10 =	sld [smem:$0x3FB9];
	_ =	sdelay $0x3  }
0x36: {  	p1 =	seq.s32 s10, $0x1;
	s10 =	sld [smem:$0x3FBA];
	_ =	sdelay $0x3  }
0x37: {  	[smem:$0x3FBA] =	sst s10  }
0x38: {  	s10 =	sld [smem:$0x3FBB]  }
0x39: {  	_ = 	snop;
	(pc) =	sbr.ind lr, $3  }
0x3a: {  	_ = 	snop  }
0x3b: {  	_ = 	snop  }
0x3c: {  	p2 =	seq.s32 s10, $0x1;
	s10 =	sld [smem:$0x3FBA]  }
0x3d: {  	_ =	shalt  }
0x3e: {  	_ =	shalt  }
0x3f: {  	_ =	shalt  }
0x40: {  	_ =	shalt  }
0x41: {  	_ =	shalt  }
0x42: {  	_ =	shalt  }
0x43: {  	_ =	shalt  }
0x44: {  	_ =	shalt  }
0x45: {  	_ =	shalt  }
0x46: {  	_ =	shalt  }
0x47: {  	_ =	shalt  }
0x48: {  	_ =	shalt  }
0x49: {  	_ =	shalt  }
0x4a: {  	_ =	shalt  }
0x4b: {  	_ =	shalt  }
0x4c: {  	_ =	shalt  }
0x4d: {  	_ =	shalt  }
0x4e: {  	_ =	shalt  }
0x4f: {  	_ =	shalt  }
0x50: {  	_ =	shalt  }
0x51: {  	_ =	shalt  }
0x52: {  	_ =	shalt  }
0x53: {  	_ =	shalt  }
0x54: {  	_ =	shalt  }
0x55: {  	_ =	shalt  }
0x56: {  	_ =	shalt  }
0x57: {  	_ =	shalt  }
0x58: {  	_ =	shalt  }
0x59: {  	_ =	shalt  }
0x5a: {  	_ =	shalt  }
0x5b: {  	_ =	shalt  }
0x5c: {  	_ =	shalt  }
0x5d: {  	_ =	shalt  }
0x5e: {  	_ =	shalt  }
0x5f: {  	_ =	shalt  }
0x60: {  	_ =	shalt  }
0x61: {  	_ =	shalt  }
0x62: {  	_ =	shalt  }
0x63: {  	_ =	shalt  }
0x64: {  	_ =	shalt  }
0x65: {  	_ =	shalt  }
0x66: {  	_ =	shalt  }
0x67: {  	_ =	shalt  }
0x68: {  	_ =	shalt  }
0x69: {  	_ =	shalt  }
0x6a: {  	_ =	shalt  }
0x6b: {  	_ =	shalt  }
0x6c: {  	_ =	shalt  }
0x6d: {  	_ =	shalt  }
0x6e: {  	_ =	shalt  }
0x6f: {  	_ =	shalt  }
0x70: {  	_ =	shalt  }
0x71: {  	_ =	shalt  }
0x72: {  	_ =	shalt  }
0x73: {  	_ =	shalt  }
0x74: {  	_ =	shalt  }
0x75: {  	_ =	shalt  }
0x76: {  	_ =	shalt  }
0x77: {  	_ =	shalt  }
0x78: {  	_ =	shalt  }
0x79: {  	_ =	shalt  }
0x7a: {  	_ =	shalt  }
0x7b: {  	_ =	shalt  }
0x7c: {  	_ =	shalt  }
0x7d: {  	_ =	shalt  }
0x7e: {  	_ =	shalt  }
0x7f: {  	_ =	shalt  }
0x80: {  	_ =	shalt  }
0x81: {  	_ =	shalt  }
0x82: {  	_ =	shalt  }
0x83: {  	_ =	shalt  }
0x84: {  	_ =	shalt  }
0x85: {  	_ =	shalt  }
0x86: {  	_ =	shalt  }
0x87: {  	_ =	shalt  }
.Lfunc_end0:
.L_simem_size_0:
called_computation_lowered:
.L_overlay_start_0:
0x88: {  	s2 =	sld [smem:$0x3FD9]  }
0x89: {  	s3 =	sld [smem:$0x3FFE];
	_ =	sdelay $0x1  }
0x8a: {  	s1 =	srdreg.scid  }
0x8b: {  	s0 =	sand.u32 $0x1, s1  }
0x8c: {  	s18 =	sshll.u32 s0, $0xA;
	s2 =	sadd.s32 s3, s2  }
0x8d: {  	s2 =	sadd.s32 s2, s18  }
0x8e: {  	[smem:$0x3FC6] =	sst s2  }
0x8f: {  	_ = 	snop  }
0x90: {  	s2 =	sld [smem:$0x3FC9]  }
0x91: {  	s19 =	sld [smem:$0x3FC8]  }
0x92: {  	s4 =	sld [smem:$0x3FD0];
	(tm) =	ssettm $0x1  }
0x93: {  	s5 =	sld [smem:$0x3FFB];
	_ =	sdelay $0x3  }
0x94: {  	_ =	strace s5  }
0x95: {  	s5 =	sld [smem:$0x3FFC];
	_ =	sdelay $0x3  }
0x96: {  	_ =	strace s5  }
0x97: {  	s5 =	sld [smem:$0x3FFD];
	_ =	sdelay $0x3  }
0x98: {  	_ =	strace s5  }
0x99: {  	_ =	strace $0x8FFFFFFF  }
0x9a: {  	s20 =	sld [smem:$0x3FDB];
	_ =	sdelay $0x1  }
0x9b: {  	s6 =	simm.s32 $_scs_section_size  }
0x9c: {  	s7 =	simm.s32 $_size__tile_overlayer_lowered;
	s8 =	simm.s32 $_tile_overlayer_lowered  }
0x9d: {  	s23 =	simm.s32 $0x1BFF;
	s22 =	sshll.u32 s8, $0x1;
	s5 =	sadd.s32 s6, s20  }
0x9e: {  	s9 =	simm.s32 $0x0;
	s21 =	sshll.u32 s7, $0x1;
	s7 =	sadd.s32 s22, s5  }
0x9f: {  	[timem:s9], [sflag:s23] =	dma.local [hbm:s7], s21  }
0xa0: {  	_ =	swait.ge [sflag:s23], s21  }
0xa1: {  	s6 =	ssub.s32 $0x0, s21;
	[sflag:s23] =	ssyncset.done $0x0  }
0xa2: {  	[sflag:s23] =	ssyncadd.s32 s6;
	_ =	sdelay $0x1  }
0xa3: {  	s24 =	simm.s32 $0x1B8B  }
0xa4: {  	_ =	swait.ge [sflag:s24], $0x1  }
0xa5: {  	[sflag:s24] =	ssyncset.done $0x0  }
0xa6: {  	s25 =	simm.s32 $0x1B8E;
	[sflag:s24] =	ssyncadd.s32 $0xFFFFFFFF  }
0xa7: {  	s26 =	simm.s32 $execute0_lowered;
	[smem:$0x3FD2] =	sst s25  }
0xa8: {  	s6 =	sshll.u32 s26, $0x1;
	_ =	strace $0x80000046;
	[dreg:$0x1] =	wrdreg $0xFFFFFFFF  }
0xa9: {  	s28 =	simm.s32 $_size_execute0_lowered;
	s5 =	sadd.s32 s5, s6;
	[dreg:$0x0] =	wrdreg $0x0  }
0xaa: {  	s6 =	sshll.u32 s28, $0x1;
	[dreg:$0x2] =	wrdreg s5  }
0xab: {  	[dreg:$0x3] =	wrdreg s6  }
0xac: {  	[dreg:$0x4] =	wrdreg $0xC0  }
0xad: {  	_ =	task [dreg:s9], $0x5FFFF  }
0xae: {  	[dreg:$0x1] =	wrdreg $0xFFFFFFFF  }
0xaf: {  	[dreg:$0x0] =	wrdreg $0x60  }
0xb0: {  	[dreg:$0x2] =	wrdreg s2  }
0xb1: {  	[dreg:$0x3] =	wrdreg s19  }
0xb2: {  	[dreg:$0x4] =	wrdreg s4  }
0xb3: {  	[dreg:$0x5] =	wrdreg $0x9  }
0xb4: {  	_ =	task.clear_ibuf [dreg:s9], $0x6FFFF;
	_ =	strace $0x90000046  }
0xb5: {  	s29 =	simm.s32 $0x9;
	_ =	strace $0x80000048  }
0xb6: {  	_ =	swait.ge [sflag:s29], $0x1  }
0xb7: {  	[sflag:s29] =	ssyncadd.s32 $0xFFFFFFFF  }
0xb8: {  	_ =	strace $0x90000048  }
0xb9: {  	_ =	sfence  }
0xba: {  	s30 =	sld [smem:$0x0];
	_ =	sdelay $0x2  }
0xbb: {  	s31 =	sshll.u32 s1, $0xD;
	s1 =	sshrl.u32 s1, $0x2  }
0xbc: {  	s3 =	sand.u32 $0x4000, s31;
	s1 =	sadd.s32 s1, s30  }
0xbd: {  	s0 =	sor.u32 s3, s0;
	s1 =	sshll.u32 s1, $0x11  }
0xbe: {  	s0 =	sor.u32 s1, s0  }
0xbf: {  	s0 =	sadd.s32 $0x8F2B, s0  }
0xc0: {  	[sflag:s0] =	ssyncadd.remote.s32 $0x1  }
0xc1: {  	_ =	sfence.sel $0xFFFF  }
0xc2: {  	[dreg:$0x0] =	wrdreg $0xFFFFFFFF;
	(pc) =	sbr.abs _section_cstart, $3  }
0xc3: {  	[dreg:$0x1] =	wrdreg $0xFFFFFFFF  }
0xc4: {  	_ =	task.clear_ibuf [dreg:s9], $0x2FFFF;
	_ =	strace $0x9FFFFFFF  }
0xc5: {  	(tm) =	ssettm $0x7FFFFFFF  }
tec
execute0_lowered:
.L_overlay_start_1:
0x0: {  	(tag) =	ssettag $0x1  }
0x1: {  	s1 =	rddreg [dreg:$0x0]  }
0x2: {  	s0 =	srdreg.scid;
	s2 =	rddreg [dreg:$0x1]  }
0x3: {  	s3 =	stileid.u32;
	s4 =	rddreg [dreg:$0x2];
	s29 =	simm.s32 $0x3  }
0x4: {  	s18 =	simm.s32 $0x5900;
	s19 =	simm.s32 $0x6100;
	s20 =	simm.s32 $0x6900  }
0x5: {  	s21 =	simm.s32 $0x7100;
	s11 =	simm.s32 $0x9900;
	s10 =	simm.s32 $0xA100  }
0x6: {  	s12 =	simm.s32 $0xA900;
	s13 =	simm.s32 $0xB100;
	s14 =	simm.s32 $0xB900  }
0x7: {  	s15 =	simm.s32 $0xC100;
	s16 =	simm.s32 $0xC900;
	s17 =	simm.s32 $0xD100  }
0x8: {  	s28 =	simm.s32 $0xD900;
	s30 =	simm.s32 $0xE100;
	s0 =	sand.u32 $0x1, s0  }
0x9: {  	s5 =	sshll.u32 s3, $0x9;
	s3 =	simm.s32 $0x0;
	s6 =	sshll.u32 s0, $0x8  }
0xa: {  	s7 =	sadd.s32 $0x300, s1;
	[smem:$0x7FF] =	sst s3;
	s5 =	sor.u32 s6, s5  }
0xb: {  	s0 =	ssub.s32 $0x2, s0;
	_ =	strace $0x80000047;
	s6 =	sshrl.u32 s5, $0x3  }
0xc: {  	s24 =	sshrl.u32 s0, $0x1;
	s5 =	sshll.u32 s5, $0x7;
	s2 =	sadd.s32 s2, s6  }
0xd: {  	s0 =	ssub.s32 s0, s24;
	s22 =	sadd.s32 s4, s5;
	[dreg:$0x4] =	wrdreg s2  }
0xe: {  	s24 =	simm.s32 $0x8900;
	s23 =	sadd.s32 $0x2000, s22;
	[dreg:$0x9] =	wrdreg s22  }
0xf: {  	s5 =	sadd.s32 $0x100, s1;
	s25 =	sadd.s32 $0x3C00, s22;
	[dreg:$0x5] =	wrdreg s23  }
0x10: {  	s6 =	sadd.s32 $0x200, s1;
	s26 =	sadd.s32 $0x5C00, s22;
	[dreg:$0x6] =	wrdreg s25  }
0x11: {  	v2 =	vlaneseq.u32;
	s8 =	smax.u32 s0, $0x1;
	s31 =	sadd.s32 $0x7800, s22;
	[dreg:$0x7] =	wrdreg s26  }
0x12: {  	vm0 =	vmmov $0xffff;
	v1 =	vshrl.u32 v2, $0x3;
	s22 =	simm.s32 $0x7900;
	s2 =	simm.s32 $0x10100;
	[dreg:$0x8] =	wrdreg s31  }
0x13: {  	v0 =	vand.u32 $0x7, v2;
	v2 =	vor.u32 $0x8, v2;
	v1 =	vmul.u32 $0x8, v1;
	s25 =	simm.s32 $0x1;
	s26 =	simm.s32 $0x100;
	s23 =	simm.s32 $0x8100  }
.LBB2_1:
0x14: {  	s31 =	rddreg [dreg:$0x4];
	s0 =	simm.s32 $0x5  }
0x15: {  	[tilespmem:s3], [sflag:$0x5] =	stream.linear.gather [hbm4b:s31+s3], $0x100, $0x38;
	[tilespmem:$0x1E100] =	vst v63  }
0x16: {  	_ =	swait.ge [sflag:s0], $0x100  }
0x17: {  	[sflag:s0] =	ssyncset.done $0x0  }
0x18: {  	[sflag:s0] =	ssyncadd.s32 $0xFFFFFF00  }
0x19: {  	v3 =	vld [tilespmem:$0x0];
	_ =	sdelay $0x4  }
0x1a: {  	v4 =	vshll.u32 v3, $0x3  }
0x1b: {  	v3 =	vand.u32 $0x7, v3;
	v4 =	vand.u32 $0xFFFFFFC0, v4  }
0x1c: {  	v3 =	vor.u32 v3, v4  }
0x1d: {  	v4 =	vperm.xlane v3, v0;
	_ =	sdelay $0x1  }
0x1e: {  	v4 =	vadd.s32 v1, v4;
	_ =	sdelay $0x4  }
0x1f: {  	[tilespmem:s26], [sflag:$0x1] =	stream.indirect_vreg.gather [hbm4b:s1+s3], $0x80, v4, vm0, $0xb8;
	[tilespmem:$0x1E100] =	vst v63  }
0x20: {  	s9 =	simm.s32 $0x900;
	v3 =	vperm.xlane v3, v2  }
0x21: {  	[tilespmem:s9], [sflag:$0x1] =	stream.indirect_vreg.gather [hbm4b:s5+s3], $0x80, v4, vm0, $0xb8;
	[tilespmem:$0x1E100] =	vst v63  }
0x22: {  	s31 =	simm.s32 $0x1100;
	v3 =	vadd.s32 v1, v3  }
0x23: {  	[tilespmem:s31], [sflag:$0x1] =	stream.indirect_vreg.gather [hbm4b:s6+s3], $0x80, v4, vm0, $0xb8;
	[tilespmem:$0x1E100] =	vst v63  }
0x24: {  	s4 =	simm.s32 $0x1900  }
0x25: {  	[tilespmem:s4], [sflag:$0x1] =	stream.indirect_vreg.gather [hbm4b:s7+s3], $0x80, v4, vm0, $0xb8;
	[tilespmem:$0x1E100] =	vst v63  }
0x26: {  	s9 =	simm.s32 $0x2100  }
0x27: {  	[tilespmem:s9], [sflag:$0x1] =	stream.indirect_vreg.gather [hbm4b:s1+s3], $0x80, v3, vm0, $0xb8;
	[tilespmem:$0x1E100] =	vst v63  }
0x28: {  	s31 =	simm.s32 $0x2900  }
0x29: {  	[tilespmem:s31], [sflag:$0x1] =	stream.indirect_vreg.gather [hbm4b:s5+s3], $0x80, v3, vm0, $0xb8;
	[tilespmem:$0x1E100] =	vst v63  }
0x2a: {  	s4 =	simm.s32 $0x3100  }
0x2b: {  	[tilespmem:s4], [sflag:$0x1] =	stream.indirect_vreg.gather [hbm4b:s6+s3], $0x80, v3, vm0, $0xb8;
	[tilespmem:$0x1E100] =	vst v63  }
0x2c: {  	s9 =	simm.s32 $0x3900  }
0x2d: {  	[tilespmem:s9], [sflag:$0x1] =	stream.indirect_vreg.gather [hbm4b:s7+s3], $0x80, v3, vm0, $0xb8;
	[tilespmem:$0x1E100] =	vst v63  }
0x2e: {  	v3 =	vld [tilespmem:$0x10];
	_ =	sdelay $0x4  }
0x2f: {  	v48 =	vshll.u32 v3, $0x3  }
0x30: {  	v3 =	vand.u32 $0x7, v3;
	v4 =	vand.u32 $0xFFFFFFC0, v48  }
0x31: {  	v3 =	vor.u32 v3, v4  }
0x32: {  	v4 =	vperm.xlane v3, v0;
	_ =	sdelay $0x1  }
0x33: {  	v4 =	vadd.s32 v1, v4;
	_ =	sdelay $0x3  }
0x34: {  	s4 =	simm.s32 $0x4100  }
0x35: {  	[tilespmem:s4], [sflag:$0x1] =	stream.indirect_vreg.gather [hbm4b:s1+s3], $0x80, v4, vm0, $0xb8;
	[tilespmem:$0x1E100] =	vst v63  }
0x36: {  	s31 =	simm.s32 $0x4900;
	v3 =	vperm.xlane v3, v2  }
0x37: {  	[tilespmem:s31], [sflag:$0x1] =	stream.indirect_vreg.gather [hbm4b:s5+s3], $0x80, v4, vm0, $0xb8;
	[tilespmem:$0x1E100] =	vst v63  }
0x38: {  	s9 =	simm.s32 $0x5100;
	v3 =	vadd.s32 v1, v3  }
0x39: {  	[tilespmem:s9], [sflag:$0x1] =	stream.indirect_vreg.gather [hbm4b:s6+s3], $0x80, v4, vm0, $0xb8;
	[tilespmem:$0x1E100] =	vst v63  }
0x3a: {  	_ = 	snop  }
0x3b: {  	[tilespmem:s18], [sflag:$0x1] =	stream.indirect_vreg.gather [hbm4b:s7+s3], $0x80, v4, vm0, $0xb8;
	[tilespmem:$0x1E100] =	vst v63  }
0x3c: {  	_ = 	snop  }
0x3d: {  	[tilespmem:s19], [sflag:$0x1] =	stream.indirect_vreg.gather [hbm4b:s1+s3], $0x80, v3, vm0, $0xb8;
	[tilespmem:$0x1E100] =	vst v63  }
0x3e: {  	_ = 	snop  }
0x3f: {  	[tilespmem:s20], [sflag:$0x1] =	stream.indirect_vreg.gather [hbm4b:s5+s3], $0x80, v3, vm0, $0xb8;
	[tilespmem:$0x1E100] =	vst v63  }
0x40: {  	_ = 	snop  }
0x41: {  	[tilespmem:s21], [sflag:$0x1] =	stream.indirect_vreg.gather [hbm4b:s6+s3], $0x80, v3, vm0, $0xb8;
	[tilespmem:$0x1E100] =	vst v63  }
0x42: {  	_ = 	snop  }
0x43: {  	[tilespmem:s22], [sflag:$0x1] =	stream.indirect_vreg.gather [hbm4b:s7+s3], $0x80, v3, vm0, $0xb8;
	[tilespmem:$0x1E100] =	vst v63  }
0x44: {  	v3 =	vld [tilespmem:$0x20];
	_ =	sdelay $0x4  }
0x45: {  	v49 =	vshll.u32 v3, $0x3  }
0x46: {  	v3 =	vand.u32 $0x7, v3;
	v4 =	vand.u32 $0xFFFFFFC0, v49  }
0x47: {  	v3 =	vor.u32 v3, v4  }
0x48: {  	v4 =	vperm.xlane v3, v0;
	_ =	sdelay $0x1  }
0x49: {  	v4 =	vadd.s32 v1, v4;
	_ =	sdelay $0x4  }
0x4a: {  	[tilespmem:s23], [sflag:$0x1] =	stream.indirect_vreg.gather [hbm4b:s1+s3], $0x80, v4, vm0, $0xb8;
	[tilespmem:$0x1E100] =	vst v63  }
0x4b: {  	v3 =	vperm.xlane v3, v2  }
0x4c: {  	[tilespmem:s24], [sflag:$0x1] =	stream.indirect_vreg.gather [hbm4b:s5+s3], $0x80, v4, vm0, $0xb8;
	[tilespmem:$0x1E100] =	vst v63  }
0x4d: {  	s9 =	simm.s32 $0x9100;
	v3 =	vadd.s32 v1, v3  }
0x4e: {  	[tilespmem:s9], [sflag:$0x1] =	stream.indirect_vreg.gather [hbm4b:s6+s3], $0x80, v4, vm0, $0xb8;
	[tilespmem:$0x1E100] =	vst v63  }
0x4f: {  	_ = 	snop  }
0x50: {  	[tilespmem:s11], [sflag:$0x1] =	stream.indirect_vreg.gather [hbm4b:s7+s3], $0x80, v4, vm0, $0xb8;
	[tilespmem:$0x1E100] =	vst v63  }
0x51: {  	_ = 	snop  }
0x52: {  	[tilespmem:s10], [sflag:$0x1] =	stream.indirect_vreg.gather [hbm4b:s1+s3], $0x80, v3, vm0, $0xb8;
	[tilespmem:$0x1E100] =	vst v63  }
0x53: {  	_ = 	snop  }
0x54: {  	[tilespmem:s12], [sflag:$0x1] =	stream.indirect_vreg.gather [hbm4b:s5+s3], $0x80, v3, vm0, $0xb8;
	[tilespmem:$0x1E100] =	vst v63  }
0x55: {  	_ = 	snop  }
0x56: {  	[tilespmem:s13], [sflag:$0x1] =	stream.indirect_vreg.gather [hbm4b:s6+s3], $0x80, v3, vm0, $0xb8;
	[tilespmem:$0x1E100] =	vst v63  }
0x57: {  	_ = 	snop  }
0x58: {  	[tilespmem:s14], [sflag:$0x1] =	stream.indirect_vreg.gather [hbm4b:s7+s3], $0x80, v3, vm0, $0xb8;
	[tilespmem:$0x1E100] =	vst v63  }
0x59: {  	v3 =	vld [tilespmem:$0x30];
	_ =	sdelay $0x4  }
0x5a: {  	v50 =	vshll.u32 v3, $0x3  }
0x5b: {  	v3 =	vand.u32 $0x7, v3;
	v4 =	vand.u32 $0xFFFFFFC0, v50  }
0x5c: {  	v3 =	vor.u32 v3, v4  }
0x5d: {  	v4 =	vperm.xlane v3, v0;
	_ =	sdelay $0x1  }
0x5e: {  	v4 =	vadd.s32 v1, v4;
	_ =	sdelay $0x4  }
0x5f: {  	[tilespmem:s15], [sflag:$0x1] =	stream.indirect_vreg.gather [hbm4b:s1+s3], $0x80, v4, vm0, $0xb8;
	[tilespmem:$0x1E100] =	vst v63  }
0x60: {  	v3 =	vperm.xlane v3, v2  }
0x61: {  	[tilespmem:s16], [sflag:$0x1] =	stream.indirect_vreg.gather [hbm4b:s5+s3], $0x80, v4, vm0, $0xb8;
	[tilespmem:$0x1E100] =	vst v63  }
0x62: {  	v3 =	vadd.s32 v1, v3  }
0x63: {  	[tilespmem:s17], [sflag:$0x1] =	stream.indirect_vreg.gather [hbm4b:s6+s3], $0x80, v4, vm0, $0xb8;
	[tilespmem:$0x1E100] =	vst v63  }
0x64: {  	_ = 	snop  }
0x65: {  	[tilespmem:s28], [sflag:$0x1] =	stream.indirect_vreg.gather [hbm4b:s7+s3], $0x80, v4, vm0, $0xb8;
	[tilespmem:$0x1E100] =	vst v63  }
0x66: {  	_ = 	snop  }
0x67: {  	[tilespmem:s30], [sflag:$0x1] =	stream.indirect_vreg.gather [hbm4b:s1+s3], $0x80, v3, vm0, $0xb8;
	[tilespmem:$0x1E100] =	vst v63  }
0x68: {  	s31 =	simm.s32 $0xE900  }
0x69: {  	[tilespmem:s31], [sflag:$0x1] =	stream.indirect_vreg.gather [hbm4b:s5+s3], $0x80, v3, vm0, $0xb8;
	[tilespmem:$0x1E100] =	vst v63  }
0x6a: {  	s31 =	simm.s32 $0xF100  }
0x6b: {  	[tilespmem:s31], [sflag:$0x1] =	stream.indirect_vreg.gather [hbm4b:s6+s3], $0x80, v3, vm0, $0xb8;
	[tilespmem:$0x1E100] =	vst v63  }
0x6c: {  	s31 =	simm.s32 $0xF900  }
0x6d: {  	[tilespmem:s31], [sflag:$0x1] =	stream.indirect_vreg.gather [hbm4b:s7+s3], $0x80, v3, vm0, $0xb8;
	[tilespmem:$0x1E100] =	vst v63  }
0x6e: {  	v3 =	vld [tilespmem:$0x40];
	_ =	sdelay $0x4  }
0x6f: {  	v51 =	vshll.u32 v3, $0x3  }
0x70: {  	v3 =	vand.u32 $0x7, v3;
	v4 =	vand.u32 $0xFFFFFFC0, v51  }
0x71: {  	v3 =	vor.u32 v3, v4  }
0x72: {  	v4 =	vperm.xlane v3, v0;
	_ =	sdelay $0x1  }
0x73: {  	v4 =	vadd.s32 v1, v4;
	_ =	sdelay $0x4  }
0x74: {  	[tilespmem:s2], [sflag:$0x2] =	stream.indirect_vreg.gather [hbm4b:s1+s3], $0x80, v4, vm0, $0xb8;
	[tilespmem:$0x1E100] =	vst v63  }
0x75: {  	s31 =	simm.s32 $0x10900;
	v3 =	vperm.xlane v3, v2  }
0x76: {  	[tilespmem:s31], [sflag:$0x2] =	stream.indirect_vreg.gather [hbm4b:s5+s3], $0x80, v4, vm0, $0xb8;
	[tilespmem:$0x1E100] =	vst v63  }
0x77: {  	v3 =	vadd.s32 v1, v3;
	s31 =	simm.s32 $0x11100  }
0x78: {  	[tilespmem:s31], [sflag:$0x2] =	stream.indirect_vreg.gather [hbm4b:s6+s3], $0x80, v4, vm0, $0xb8;
	[tilespmem:$0x1E100] =	vst v63  }
0x79: {  	s31 =	simm.s32 $0x11900  }
0x7a: {  	[tilespmem:s31], [sflag:$0x2] =	stream.indirect_vreg.gather [hbm4b:s7+s3], $0x80, v4, vm0, $0xb8;
	[tilespmem:$0x1E100] =	vst v63  }
0x7b: {  	s31 =	simm.s32 $0x12100  }
0x7c: {  	[tilespmem:s31], [sflag:$0x2] =	stream.indirect_vreg.gather [hbm4b:s1+s3], $0x80, v3, vm0, $0xb8;
	[tilespmem:$0x1E100] =	vst v63  }
0x7d: {  	s31 =	simm.s32 $0x12900  }
0x7e: {  	[tilespmem:s31], [sflag:$0x2] =	stream.indirect_vreg.gather [hbm4b:s5+s3], $0x80, v3, vm0, $0xb8;
	[tilespmem:$0x1E100] =	vst v63  }
0x7f: {  	s31 =	simm.s32 $0x13100  }
0x80: {  	[tilespmem:s31], [sflag:$0x2] =	stream.indirect_vreg.gather [hbm4b:s6+s3], $0x80, v3, vm0, $0xb8;
	[tilespmem:$0x1E100] =	vst v63  }
0x81: {  	s31 =	simm.s32 $0x13900  }
0x82: {  	[tilespmem:s31], [sflag:$0x2] =	stream.indirect_vreg.gather [hbm4b:s7+s3], $0x80, v3, vm0, $0xb8;
	[tilespmem:$0x1E100] =	vst v63  }
0x83: {  	v3 =	vld [tilespmem:$0x50];
	_ =	sdelay $0x4  }
0x84: {  	v52 =	vshll.u32 v3, $0x3  }
0x85: {  	v3 =	vand.u32 $0x7, v3;
	v4 =	vand.u32 $0xFFFFFFC0, v52  }
0x86: {  	v3 =	vor.u32 v3, v4  }
0x87: {  	v4 =	vperm.xlane v3, v0;
	_ =	sdelay $0x1  }
0x88: {  	v4 =	vadd.s32 v1, v4;
	_ =	sdelay $0x3  }
0x89: {  	s31 =	simm.s32 $0x14100  }
0x8a: {  	[tilespmem:s31], [sflag:$0x2] =	stream.indirect_vreg.gather [hbm4b:s1+s3], $0x80, v4, vm0, $0xb8;
	[tilespmem:$0x1E100] =	vst v63  }
0x8b: {  	v3 =	vperm.xlane v3, v2;
	s31 =	simm.s32 $0x14900  }
0x8c: {  	[tilespmem:s31], [sflag:$0x2] =	stream.indirect_vreg.gather [hbm4b:s5+s3], $0x80, v4, vm0, $0xb8;
	[tilespmem:$0x1E100] =	vst v63  }
0x8d: {  	v3 =	vadd.s32 v1, v3;
	s31 =	simm.s32 $0x15100  }
0x8e: {  	[tilespmem:s31], [sflag:$0x2] =	stream.indirect_vreg.gather [hbm4b:s6+s3], $0x80, v4, vm0, $0xb8;
	[tilespmem:$0x1E100] =	vst v63  }
0x8f: {  	s31 =	simm.s32 $0x15900  }
0x90: {  	[tilespmem:s31], [sflag:$0x2] =	stream.indirect_vreg.gather [hbm4b:s7+s3], $0x80, v4, vm0, $0xb8;
	[tilespmem:$0x1E100] =	vst v63  }
0x91: {  	s31 =	simm.s32 $0x16100  }
0x92: {  	[tilespmem:s31], [sflag:$0x2] =	stream.indirect_vreg.gather [hbm4b:s1+s3], $0x80, v3, vm0, $0xb8;
	[tilespmem:$0x1E100] =	vst v63  }
0x93: {  	s31 =	simm.s32 $0x16900  }
0x94: {  	[tilespmem:s31], [sflag:$0x2] =	stream.indirect_vreg.gather [hbm4b:s5+s3], $0x80, v3, vm0, $0xb8;
	[tilespmem:$0x1E100] =	vst v63  }
0x95: {  	s31 =	simm.s32 $0x17100  }
0x96: {  	[tilespmem:s31], [sflag:$0x2] =	stream.indirect_vreg.gather [hbm4b:s6+s3], $0x80, v3, vm0, $0xb8;
	[tilespmem:$0x1E100] =	vst v63  }
0x97: {  	s31 =	simm.s32 $0x17900  }
0x98: {  	[tilespmem:s31], [sflag:$0x2] =	stream.indirect_vreg.gather [hbm4b:s7+s3], $0x80, v3, vm0, $0xb8;
	[tilespmem:$0x1E100] =	vst v63  }
0x99: {  	v3 =	vld [tilespmem:$0x60];
	_ =	sdelay $0x4  }
0x9a: {  	v53 =	vshll.u32 v3, $0x3  }
0x9b: {  	v3 =	vand.u32 $0x7, v3;
	v4 =	vand.u32 $0xFFFFFFC0, v53  }
0x9c: {  	v3 =	vor.u32 v3, v4  }
0x9d: {  	v4 =	vperm.xlane v3, v0;
	_ =	sdelay $0x1  }
0x9e: {  	v4 =	vadd.s32 v1, v4;
	_ =	sdelay $0x3  }
0x9f: {  	s31 =	simm.s32 $0x18100  }
0xa0: {  	[tilespmem:s31], [sflag:$0x2] =	stream.indirect_vreg.gather [hbm4b:s1+s3], $0x80, v4, vm0, $0xb8;
	[tilespmem:$0x1E100] =	vst v63  }
0xa1: {  	v3 =	vperm.xlane v3, v2;
	s31 =	simm.s32 $0x18900  }
0xa2: {  	[tilespmem:s31], [sflag:$0x2] =	stream.indirect_vreg.gather [hbm4b:s5+s3], $0x80, v4, vm0, $0xb8;
	[tilespmem:$0x1E100] =	vst v63  }
0xa3: {  	v3 =	vadd.s32 v1, v3;
	s31 =	simm.s32 $0x19100  }
0xa4: {  	[tilespmem:s31], [sflag:$0x2] =	stream.indirect_vreg.gather [hbm4b:s6+s3], $0x80, v4, vm0, $0xb8;
	[tilespmem:$0x1E100] =	vst v63  }
0xa5: {  	s31 =	simm.s32 $0x19900  }
0xa6: {  	[tilespmem:s31], [sflag:$0x2] =	stream.indirect_vreg.gather [hbm4b:s7+s3], $0x80, v4, vm0, $0xb8;
	[tilespmem:$0x1E100] =	vst v63  }
0xa7: {  	s31 =	simm.s32 $0x1A100  }
0xa8: {  	[tilespmem:s31], [sflag:$0x2] =	stream.indirect_vreg.gather [hbm4b:s1+s3], $0x80, v3, vm0, $0xb8;
	[tilespmem:$0x1E100] =	vst v63  }
0xa9: {  	s31 =	simm.s32 $0x1A900  }
0xaa: {  	[tilespmem:s31], [sflag:$0x2] =	stream.indirect_vreg.gather [hbm4b:s5+s3], $0x80, v3, vm0, $0xb8;
	[tilespmem:$0x1E100] =	vst v63  }
0xab: {  	s31 =	simm.s32 $0x1B100  }
0xac: {  	[tilespmem:s31], [sflag:$0x2] =	stream.indirect_vreg.gather [hbm4b:s6+s3], $0x80, v3, vm0, $0xb8;
	[tilespmem:$0x1E100] =	vst v63  }
0xad: {  	s31 =	simm.s32 $0x1B900  }
0xae: {  	[tilespmem:s31], [sflag:$0x2] =	stream.indirect_vreg.gather [hbm4b:s7+s3], $0x80, v3, vm0, $0xb8;
	[tilespmem:$0x1E100] =	vst v63  }
0xaf: {  	v3 =	vld.msk [tilespmem:$0x70], $0xff;
	_ =	sdelay $0x4  }
0xb0: {  	v54 =	vshll.u32 v3, $0x3  }
0xb1: {  	v3 =	vand.u32 $0x7, v3;
	v4 =	vand.u32 $0xFFFFFFC0, v54  }
0xb2: {  	v3 =	vor.u32 v3, v4  }
0xb3: {  	v3 =	vperm.xlane v3, v0;
	_ =	sdelay $0x1  }
0xb4: {  	v3 =	vadd.s32 v1, v3;
	_ =	sdelay $0x3  }
0xb5: {  	s31 =	simm.s32 $0x1C100  }
0xb6: {  	[tilespmem:s31], [sflag:$0x2] =	stream.indirect_vreg.gather [hbm4b:s1+s3], $0x80, v3, vm0, $0xb8;
	[tilespmem:$0x1E100] =	vst v63  }
0xb7: {  	s31 =	simm.s32 $0x1C900  }
0xb8: {  	[tilespmem:s31], [sflag:$0x2] =	stream.indirect_vreg.gather [hbm4b:s5+s3], $0x80, v3, vm0, $0xb8;
	[tilespmem:$0x1E100] =	vst v63  }
0xb9: {  	s31 =	simm.s32 $0x1D100  }
0xba: {  	[tilespmem:s31], [sflag:$0x2] =	stream.indirect_vreg.gather [hbm4b:s6+s3], $0x80, v3, vm0, $0xb8;
	[tilespmem:$0x1E100] =	vst v63  }
0xbb: {  	s31 =	simm.s32 $0x1D900  }
0xbc: {  	[tilespmem:s31], [sflag:$0x2] =	stream.indirect_vreg.gather [hbm4b:s7+s3], $0x80, v3, vm0, $0xb8;
	[tilespmem:$0x1E100] =	vst v63  }
0xbd: {  	_ =	swait.ge [sflag:s25], $0x10000  }
0xbe: {  	[sflag:s25] =	ssyncset.done $0x0  }
0xbf: {  	s0 =	rddreg [dreg:$0x9];
	[sflag:s25] =	ssyncadd.s32 $0xFFFF0000  }
0xc0: {  	[hbm4b:s0+s3] =	stream.linear.scatter [tilespmem:s26], [sflag:$0x3], $0x10000, $0x38;
	[tilespmem:$0x1E100] =	vst v63  }
0xc1: {  	s0 =	simm.s32 $0x2  }
0xc2: {  	_ =	swait.ge [sflag:s0], $0xE000  }
0xc3: {  	[sflag:s0] =	ssyncset.done $0x0  }
0xc4: {  	s31 =	rddreg [dreg:$0x5];
	[sflag:s0] =	ssyncadd.s32 $0xFFFF2000  }
0xc5: {  	[hbm4b:s31+s3] =	stream.linear.scatter [tilespmem:s2], [sflag:$0x4], $0xE000, $0x38;
	[tilespmem:$0x1E100] =	vst v63  }
0xc6: {  	_ =	swait.ge [sflag:s29], $0x10000  }
0xc7: {  	[sflag:s29] =	ssyncset.done $0x0  }
0xc8: {  	[sflag:s29] =	ssyncadd.s32 $0xFFFF0000  }
0xc9: {  	v3 =	vld [tilespmem:$0x78];
	_ =	sdelay $0x4  }
0xca: {  	v55 =	vshll.u32 v3, $0x3  }
0xcb: {  	v3 =	vand.u32 $0x7, v3;
	v4 =	vand.u32 $0xFFFFFFC0, v55  }
0xcc: {  	v3 =	vor.u32 v3, v4  }
0xcd: {  	v4 =	vperm.xlane v3, v0;
	_ =	sdelay $0x1  }
0xce: {  	v4 =	vadd.s32 v1, v4;
	_ =	sdelay $0x4  }
0xcf: {  	[tilespmem:s26], [sflag:$0x1] =	stream.indirect_vreg.gather [hbm4b:s1+s3], $0x80, v4, vm0, $0xb8;
	[tilespmem:$0x1E100] =	vst v63  }
0xd0: {  	s31 =	simm.s32 $0x900;
	v3 =	vperm.xlane v3, v2  }
0xd1: {  	[tilespmem:s31], [sflag:$0x1] =	stream.indirect_vreg.gather [hbm4b:s5+s3], $0x80, v4, vm0, $0xb8;
	[tilespmem:$0x1E100] =	vst v63  }
0xd2: {  	v3 =	vadd.s32 v1, v3;
	s31 =	simm.s32 $0x1100  }
0xd3: {  	[tilespmem:s31], [sflag:$0x1] =	stream.indirect_vreg.gather [hbm4b:s6+s3], $0x80, v4, vm0, $0xb8;
	[tilespmem:$0x1E100] =	vst v63  }
0xd4: {  	s31 =	simm.s32 $0x1900  }
0xd5: {  	[tilespmem:s31], [sflag:$0x1] =	stream.indirect_vreg.gather [hbm4b:s7+s3], $0x80, v4, vm0, $0xb8;
	[tilespmem:$0x1E100] =	vst v63  }
0xd6: {  	s31 =	simm.s32 $0x2100  }
0xd7: {  	[tilespmem:s31], [sflag:$0x1] =	stream.indirect_vreg.gather [hbm4b:s1+s3], $0x80, v3, vm0, $0xb8;
	[tilespmem:$0x1E100] =	vst v63  }
0xd8: {  	s31 =	simm.s32 $0x2900  }
0xd9: {  	[tilespmem:s31], [sflag:$0x1] =	stream.indirect_vreg.gather [hbm4b:s5+s3], $0x80, v3, vm0, $0xb8;
	[tilespmem:$0x1E100] =	vst v63  }
0xda: {  	s31 =	simm.s32 $0x3100  }
0xdb: {  	[tilespmem:s31], [sflag:$0x1] =	stream.indirect_vreg.gather [hbm4b:s6+s3], $0x80, v3, vm0, $0xb8;
	[tilespmem:$0x1E100] =	vst v63  }
0xdc: {  	s31 =	simm.s32 $0x3900  }
0xdd: {  	[tilespmem:s31], [sflag:$0x1] =	stream.indirect_vreg.gather [hbm4b:s7+s3], $0x80, v3, vm0, $0xb8;
	[tilespmem:$0x1E100] =	vst v63  }
0xde: {  	v3 =	vld [tilespmem:$0x88];
	_ =	sdelay $0x4  }
0xdf: {  	v56 =	vshll.u32 v3, $0x3  }
0xe0: {  	v3 =	vand.u32 $0x7, v3;
	v4 =	vand.u32 $0xFFFFFFC0, v56  }
0xe1: {  	v3 =	vor.u32 v3, v4  }
0xe2: {  	v4 =	vperm.xlane v3, v0;
	_ =	sdelay $0x1  }
0xe3: {  	v4 =	vadd.s32 v1, v4;
	_ =	sdelay $0x4  }
0xe4: {  	[tilespmem:s4], [sflag:$0x1] =	stream.indirect_vreg.gather [hbm4b:s1+s3], $0x80, v4, vm0, $0xb8;
	[tilespmem:$0x1E100] =	vst v63  }
0xe5: {  	s31 =	simm.s32 $0x4900;
	v3 =	vperm.xlane v3, v2  }
0xe6: {  	[tilespmem:s31], [sflag:$0x1] =	stream.indirect_vreg.gather [hbm4b:s5+s3], $0x80, v4, vm0, $0xb8;
	[tilespmem:$0x1E100] =	vst v63  }
0xe7: {  	v3 =	vadd.s32 v1, v3;
	s31 =	simm.s32 $0x5100  }
0xe8: {  	[tilespmem:s31], [sflag:$0x1] =	stream.indirect_vreg.gather [hbm4b:s6+s3], $0x80, v4, vm0, $0xb8;
	[tilespmem:$0x1E100] =	vst v63  }
0xe9: {  	_ = 	snop  }
0xea: {  	[tilespmem:s18], [sflag:$0x1] =	stream.indirect_vreg.gather [hbm4b:s7+s3], $0x80, v4, vm0, $0xb8;
	[tilespmem:$0x1E100] =	vst v63  }
0xeb: {  	_ = 	snop  }
0xec: {  	[tilespmem:s19], [sflag:$0x1] =	stream.indirect_vreg.gather [hbm4b:s1+s3], $0x80, v3, vm0, $0xb8;
	[tilespmem:$0x1E100] =	vst v63  }
0xed: {  	_ = 	snop  }
0xee: {  	[tilespmem:s20], [sflag:$0x1] =	stream.indirect_vreg.gather [hbm4b:s5+s3], $0x80, v3, vm0, $0xb8;
	[tilespmem:$0x1E100] =	vst v63  }
0xef: {  	_ = 	snop  }
0xf0: {  	[tilespmem:s21], [sflag:$0x1] =	stream.indirect_vreg.gather [hbm4b:s6+s3], $0x80, v3, vm0, $0xb8;
	[tilespmem:$0x1E100] =	vst v63  }
0xf1: {  	_ = 	snop  }
0xf2: {  	[tilespmem:s22], [sflag:$0x1] =	stream.indirect_vreg.gather [hbm4b:s7+s3], $0x80, v3, vm0, $0xb8;
	[tilespmem:$0x1E100] =	vst v63  }
0xf3: {  	v3 =	vld [tilespmem:$0x98];
	_ =	sdelay $0x4  }
0xf4: {  	v57 =	vshll.u32 v3, $0x3  }
0xf5: {  	v3 =	vand.u32 $0x7, v3;
	v4 =	vand.u32 $0xFFFFFFC0, v57  }
0xf6: {  	v3 =	vor.u32 v3, v4  }
0xf7: {  	v4 =	vperm.xlane v3, v0;
	_ =	sdelay $0x1  }
0xf8: {  	v4 =	vadd.s32 v1, v4;
	_ =	sdelay $0x4  }
0xf9: {  	[tilespmem:s23], [sflag:$0x1] =	stream.indirect_vreg.gather [hbm4b:s1+s3], $0x80, v4, vm0, $0xb8;
	[tilespmem:$0x1E100] =	vst v63  }
0xfa: {  	v3 =	vperm.xlane v3, v2  }
0xfb: {  	[tilespmem:s24], [sflag:$0x1] =	stream.indirect_vreg.gather [hbm4b:s5+s3], $0x80, v4, vm0, $0xb8;
	[tilespmem:$0x1E100] =	vst v63  }
0xfc: {  	v3 =	vadd.s32 v1, v3  }
0xfd: {  	[tilespmem:s9], [sflag:$0x1] =	stream.indirect_vreg.gather [hbm4b:s6+s3], $0x80, v4, vm0, $0xb8;
	[tilespmem:$0x1E100] =	vst v63  }
0xfe: {  	_ = 	snop  }
0xff: {  	[tilespmem:s11], [sflag:$0x1] =	stream.indirect_vreg.gather [hbm4b:s7+s3], $0x80, v4, vm0, $0xb8;
	[tilespmem:$0x1E100] =	vst v63  }
0x100: {  	_ = 	snop  }
0x101: {  	[tilespmem:s10], [sflag:$0x1] =	stream.indirect_vreg.gather [hbm4b:s1+s3], $0x80, v3, vm0, $0xb8;
	[tilespmem:$0x1E100] =	vst v63  }
0x102: {  	_ = 	snop  }
0x103: {  	[tilespmem:s12], [sflag:$0x1] =	stream.indirect_vreg.gather [hbm4b:s5+s3], $0x80, v3, vm0, $0xb8;
	[tilespmem:$0x1E100] =	vst v63  }
0x104: {  	_ = 	snop  }
0x105: {  	[tilespmem:s13], [sflag:$0x1] =	stream.indirect_vreg.gather [hbm4b:s6+s3], $0x80, v3, vm0, $0xb8;
	[tilespmem:$0x1E100] =	vst v63  }
0x106: {  	_ = 	snop  }
0x107: {  	[tilespmem:s14], [sflag:$0x1] =	stream.indirect_vreg.gather [hbm4b:s7+s3], $0x80, v3, vm0, $0xb8;
	[tilespmem:$0x1E100] =	vst v63  }
0x108: {  	v3 =	vld [tilespmem:$0xA8];
	_ =	sdelay $0x4  }
0x109: {  	v58 =	vshll.u32 v3, $0x3  }
0x10a: {  	v3 =	vand.u32 $0x7, v3;
	v4 =	vand.u32 $0xFFFFFFC0, v58  }
0x10b: {  	v3 =	vor.u32 v3, v4  }
0x10c: {  	v4 =	vperm.xlane v3, v0;
	_ =	sdelay $0x1  }
0x10d: {  	v4 =	vadd.s32 v1, v4;
	_ =	sdelay $0x4  }
0x10e: {  	[tilespmem:s15], [sflag:$0x1] =	stream.indirect_vreg.gather [hbm4b:s1+s3], $0x80, v4, vm0, $0xb8;
	[tilespmem:$0x1E100] =	vst v63  }
0x10f: {  	v3 =	vperm.xlane v3, v2  }
0x110: {  	[tilespmem:s16], [sflag:$0x1] =	stream.indirect_vreg.gather [hbm4b:s5+s3], $0x80, v4, vm0, $0xb8;
	[tilespmem:$0x1E100] =	vst v63  }
0x111: {  	v3 =	vadd.s32 v1, v3  }
0x112: {  	[tilespmem:s17], [sflag:$0x1] =	stream.indirect_vreg.gather [hbm4b:s6+s3], $0x80, v4, vm0, $0xb8;
	[tilespmem:$0x1E100] =	vst v63  }
0x113: {  	_ = 	snop  }
0x114: {  	[tilespmem:s28], [sflag:$0x1] =	stream.indirect_vreg.gather [hbm4b:s7+s3], $0x80, v4, vm0, $0xb8;
	[tilespmem:$0x1E100] =	vst v63  }
0x115: {  	_ = 	snop  }
0x116: {  	[tilespmem:s30], [sflag:$0x1] =	stream.indirect_vreg.gather [hbm4b:s1+s3], $0x80, v3, vm0, $0xb8;
	[tilespmem:$0x1E100] =	vst v63  }
0x117: {  	s31 =	simm.s32 $0xE900  }
0x118: {  	[tilespmem:s31], [sflag:$0x1] =	stream.indirect_vreg.gather [hbm4b:s5+s3], $0x80, v3, vm0, $0xb8;
	[tilespmem:$0x1E100] =	vst v63  }
0x119: {  	s9 =	simm.s32 $0xF100  }
0x11a: {  	[tilespmem:s9], [sflag:$0x1] =	stream.indirect_vreg.gather [hbm4b:s6+s3], $0x80, v3, vm0, $0xb8;
	[tilespmem:$0x1E100] =	vst v63  }
0x11b: {  	s31 =	simm.s32 $0xF900  }
0x11c: {  	[tilespmem:s31], [sflag:$0x1] =	stream.indirect_vreg.gather [hbm4b:s7+s3], $0x80, v3, vm0, $0xb8;
	[tilespmem:$0x1E100] =	vst v63  }
0x11d: {  	_ =	swait.ge [sflag:s25], $0x10000  }
0x11e: {  	[sflag:s25] =	ssyncset.done $0x0  }
0x11f: {  	s4 =	simm.s32 $0x4;
	s9 =	rddreg [dreg:$0x6];
	[sflag:s25] =	ssyncadd.s32 $0xFFFF0000  }
0x120: {  	[hbm4b:s9+s3] =	stream.linear.scatter [tilespmem:s26], [sflag:$0x3], $0x10000, $0x38;
	[tilespmem:$0x1E100] =	vst v63  }
0x121: {  	_ =	swait.ge [sflag:s4], $0xE000  }
0x122: {  	[sflag:s4] =	ssyncset.done $0x0  }
0x123: {  	[sflag:s4] =	ssyncadd.s32 $0xFFFF2000  }
0x124: {  	v3 =	vld [tilespmem:$0xB8];
	_ =	sdelay $0x4  }
0x125: {  	v59 =	vshll.u32 v3, $0x3  }
0x126: {  	v3 =	vand.u32 $0x7, v3;
	v4 =	vand.u32 $0xFFFFFFC0, v59  }
0x127: {  	v3 =	vor.u32 v3, v4  }
0x128: {  	v4 =	vperm.xlane v3, v0;
	_ =	sdelay $0x1  }
0x129: {  	v4 =	vadd.s32 v1, v4;
	_ =	sdelay $0x4  }
0x12a: {  	[tilespmem:s2], [sflag:$0x2] =	stream.indirect_vreg.gather [hbm4b:s1+s3], $0x80, v4, vm0, $0xb8;
	[tilespmem:$0x1E100] =	vst v63  }
0x12b: {  	s31 =	simm.s32 $0x10900;
	v3 =	vperm.xlane v3, v2  }
0x12c: {  	[tilespmem:s31], [sflag:$0x2] =	stream.indirect_vreg.gather [hbm4b:s5+s3], $0x80, v4, vm0, $0xb8;
	[tilespmem:$0x1E100] =	vst v63  }
0x12d: {  	v3 =	vadd.s32 v1, v3;
	s31 =	simm.s32 $0x11100  }
0x12e: {  	[tilespmem:s31], [sflag:$0x2] =	stream.indirect_vreg.gather [hbm4b:s6+s3], $0x80, v4, vm0, $0xb8;
	[tilespmem:$0x1E100] =	vst v63  }
0x12f: {  	s31 =	simm.s32 $0x11900  }
0x130: {  	[tilespmem:s31], [sflag:$0x2] =	stream.indirect_vreg.gather [hbm4b:s7+s3], $0x80, v4, vm0, $0xb8;
	[tilespmem:$0x1E100] =	vst v63  }
0x131: {  	s31 =	simm.s32 $0x12100  }
0x132: {  	[tilespmem:s31], [sflag:$0x2] =	stream.indirect_vreg.gather [hbm4b:s1+s3], $0x80, v3, vm0, $0xb8;
	[tilespmem:$0x1E100] =	vst v63  }
0x133: {  	s31 =	simm.s32 $0x12900  }
0x134: {  	[tilespmem:s31], [sflag:$0x2] =	stream.indirect_vreg.gather [hbm4b:s5+s3], $0x80, v3, vm0, $0xb8;
	[tilespmem:$0x1E100] =	vst v63  }
0x135: {  	s31 =	simm.s32 $0x13100  }
0x136: {  	[tilespmem:s31], [sflag:$0x2] =	stream.indirect_vreg.gather [hbm4b:s6+s3], $0x80, v3, vm0, $0xb8;
	[tilespmem:$0x1E100] =	vst v63  }
0x137: {  	s31 =	simm.s32 $0x13900  }
0x138: {  	[tilespmem:s31], [sflag:$0x2] =	stream.indirect_vreg.gather [hbm4b:s7+s3], $0x80, v3, vm0, $0xb8;
	[tilespmem:$0x1E100] =	vst v63  }
0x139: {  	v3 =	vld [tilespmem:$0xC8];
	_ =	sdelay $0x4  }
0x13a: {  	v60 =	vshll.u32 v3, $0x3  }
0x13b: {  	v3 =	vand.u32 $0x7, v3;
	v4 =	vand.u32 $0xFFFFFFC0, v60  }
0x13c: {  	v3 =	vor.u32 v3, v4  }
0x13d: {  	v4 =	vperm.xlane v3, v0;
	_ =	sdelay $0x1  }
0x13e: {  	v4 =	vadd.s32 v1, v4;
	_ =	sdelay $0x3  }
0x13f: {  	s31 =	simm.s32 $0x14100  }
0x140: {  	[tilespmem:s31], [sflag:$0x2] =	stream.indirect_vreg.gather [hbm4b:s1+s3], $0x80, v4, vm0, $0xb8;
	[tilespmem:$0x1E100] =	vst v63  }
0x141: {  	v3 =	vperm.xlane v3, v2;
	s31 =	simm.s32 $0x14900  }
0x142: {  	[tilespmem:s31], [sflag:$0x2] =	stream.indirect_vreg.gather [hbm4b:s5+s3], $0x80, v4, vm0, $0xb8;
	[tilespmem:$0x1E100] =	vst v63  }
0x143: {  	v3 =	vadd.s32 v1, v3;
	s31 =	simm.s32 $0x15100  }
0x144: {  	[tilespmem:s31], [sflag:$0x2] =	stream.indirect_vreg.gather [hbm4b:s6+s3], $0x80, v4, vm0, $0xb8;
	[tilespmem:$0x1E100] =	vst v63  }
0x145: {  	s31 =	simm.s32 $0x15900  }
0x146: {  	[tilespmem:s31], [sflag:$0x2] =	stream.indirect_vreg.gather [hbm4b:s7+s3], $0x80, v4, vm0, $0xb8;
	[tilespmem:$0x1E100] =	vst v63  }
0x147: {  	s31 =	simm.s32 $0x16100  }
0x148: {  	[tilespmem:s31], [sflag:$0x2] =	stream.indirect_vreg.gather [hbm4b:s1+s3], $0x80, v3, vm0, $0xb8;
	[tilespmem:$0x1E100] =	vst v63  }
0x149: {  	s31 =	simm.s32 $0x16900  }
0x14a: {  	[tilespmem:s31], [sflag:$0x2] =	stream.indirect_vreg.gather [hbm4b:s5+s3], $0x80, v3, vm0, $0xb8;
	[tilespmem:$0x1E100] =	vst v63  }
0x14b: {  	s31 =	simm.s32 $0x17100  }
0x14c: {  	[tilespmem:s31], [sflag:$0x2] =	stream.indirect_vreg.gather [hbm4b:s6+s3], $0x80, v3, vm0, $0xb8;
	[tilespmem:$0x1E100] =	vst v63  }
0x14d: {  	s31 =	simm.s32 $0x17900  }
0x14e: {  	[tilespmem:s31], [sflag:$0x2] =	stream.indirect_vreg.gather [hbm4b:s7+s3], $0x80, v3, vm0, $0xb8;
	[tilespmem:$0x1E100] =	vst v63  }
0x14f: {  	v3 =	vld [tilespmem:$0xD8];
	_ =	sdelay $0x4  }
0x150: {  	v61 =	vshll.u32 v3, $0x3  }
0x151: {  	v3 =	vand.u32 $0x7, v3;
	v4 =	vand.u32 $0xFFFFFFC0, v61  }
0x152: {  	v3 =	vor.u32 v3, v4  }
0x153: {  	v4 =	vperm.xlane v3, v0;
	_ =	sdelay $0x1  }
0x154: {  	v4 =	vadd.s32 v1, v4;
	_ =	sdelay $0x3  }
0x155: {  	s31 =	simm.s32 $0x18100  }
0x156: {  	[tilespmem:s31], [sflag:$0x2] =	stream.indirect_vreg.gather [hbm4b:s1+s3], $0x80, v4, vm0, $0xb8;
	[tilespmem:$0x1E100] =	vst v63  }
0x157: {  	v3 =	vperm.xlane v3, v2;
	s31 =	simm.s32 $0x18900  }
0x158: {  	[tilespmem:s31], [sflag:$0x2] =	stream.indirect_vreg.gather [hbm4b:s5+s3], $0x80, v4, vm0, $0xb8;
	[tilespmem:$0x1E100] =	vst v63  }
0x159: {  	v3 =	vadd.s32 v1, v3;
	s31 =	simm.s32 $0x19100  }
0x15a: {  	[tilespmem:s31], [sflag:$0x2] =	stream.indirect_vreg.gather [hbm4b:s6+s3], $0x80, v4, vm0, $0xb8;
	[tilespmem:$0x1E100] =	vst v63  }
0x15b: {  	s31 =	simm.s32 $0x19900  }
0x15c: {  	[tilespmem:s31], [sflag:$0x2] =	stream.indirect_vreg.gather [hbm4b:s7+s3], $0x80, v4, vm0, $0xb8;
	[tilespmem:$0x1E100] =	vst v63  }
0x15d: {  	s31 =	simm.s32 $0x1A100  }
0x15e: {  	[tilespmem:s31], [sflag:$0x2] =	stream.indirect_vreg.gather [hbm4b:s1+s3], $0x80, v3, vm0, $0xb8;
	[tilespmem:$0x1E100] =	vst v63  }
0x15f: {  	s31 =	simm.s32 $0x1A900  }
0x160: {  	[tilespmem:s31], [sflag:$0x2] =	stream.indirect_vreg.gather [hbm4b:s5+s3], $0x80, v3, vm0, $0xb8;
	[tilespmem:$0x1E100] =	vst v63  }
0x161: {  	s31 =	simm.s32 $0x1B100  }
0x162: {  	[tilespmem:s31], [sflag:$0x2] =	stream.indirect_vreg.gather [hbm4b:s6+s3], $0x80, v3, vm0, $0xb8;
	[tilespmem:$0x1E100] =	vst v63  }
0x163: {  	s31 =	simm.s32 $0x1B900  }
0x164: {  	[tilespmem:s31], [sflag:$0x2] =	stream.indirect_vreg.gather [hbm4b:s7+s3], $0x80, v3, vm0, $0xb8;
	[tilespmem:$0x1E100] =	vst v63  }
0x165: {  	v3 =	vld.msk [tilespmem:$0xE8], $0xff;
	_ =	sdelay $0x4  }
0x166: {  	v62 =	vshll.u32 v3, $0x3  }
0x167: {  	v3 =	vand.u32 $0x7, v3;
	v4 =	vand.u32 $0xFFFFFFC0, v62  }
0x168: {  	v3 =	vor.u32 v3, v4  }
0x169: {  	v3 =	vperm.xlane v3, v0;
	_ =	sdelay $0x1  }
0x16a: {  	v3 =	vadd.s32 v1, v3;
	_ =	sdelay $0x3  }
0x16b: {  	s31 =	simm.s32 $0x1C100  }
0x16c: {  	[tilespmem:s31], [sflag:$0x2] =	stream.indirect_vreg.gather [hbm4b:s1+s3], $0x80, v3, vm0, $0xb8;
	[tilespmem:$0x1E100] =	vst v63  }
0x16d: {  	s31 =	simm.s32 $0x1C900  }
0x16e: {  	[tilespmem:s31], [sflag:$0x2] =	stream.indirect_vreg.gather [hbm4b:s5+s3], $0x80, v3, vm0, $0xb8;
	[tilespmem:$0x1E100] =	vst v63  }
0x16f: {  	s31 =	simm.s32 $0x1D100  }
0x170: {  	[tilespmem:s31], [sflag:$0x2] =	stream.indirect_vreg.gather [hbm4b:s6+s3], $0x80, v3, vm0, $0xb8;
	[tilespmem:$0x1E100] =	vst v63  }
0x171: {  	s31 =	simm.s32 $0x1D900  }
0x172: {  	[tilespmem:s31], [sflag:$0x2] =	stream.indirect_vreg.gather [hbm4b:s7+s3], $0x80, v3, vm0, $0xb8;
	[tilespmem:$0x1E100] =	vst v63  }
0x173: {  	_ =	swait.ge [sflag:s0], $0xE000  }
0x174: {  	[sflag:s0] =	ssyncset.done $0x0  }
0x175: {  	s9 =	rddreg [dreg:$0x7];
	[sflag:s0] =	ssyncadd.s32 $0xFFFF2000  }
0x176: {  	[hbm4b:s9+s3] =	stream.linear.scatter [tilespmem:s2], [sflag:$0x4], $0xE000, $0x38;
	[tilespmem:$0x1E100] =	vst v63  }
0x177: {  	_ =	swait.ge [sflag:s29], $0x10000  }
0x178: {  	[sflag:s29] =	ssyncset.done $0x0  }
0x179: {  	[sflag:s29] =	ssyncadd.s32 $0xFFFF0000  }
0x17a: {  	v3 =	vld [tilespmem:$0xF0];
	_ =	sdelay $0x4  }
0x17b: {  	v63 =	vshll.u32 v3, $0x3  }
0x17c: {  	v3 =	vand.u32 $0x7, v3;
	v4 =	vand.u32 $0xFFFFFFC0, v63  }
0x17d: {  	v3 =	vor.u32 v3, v4  }
0x17e: {  	v4 =	vperm.xlane v3, v0;
	_ =	sdelay $0x1  }
0x17f: {  	v4 =	vadd.s32 v1, v4;
	_ =	sdelay $0x4  }
0x180: {  	[tilespmem:s26], [sflag:$0x1] =	stream.indirect_vreg.gather [hbm4b:s1+s3], $0x80, v4, vm0, $0xb8;
	[tilespmem:$0x1E100] =	vst v63  }
0x181: {  	s31 =	simm.s32 $0x900;
	v3 =	vperm.xlane v3, v2  }
0x182: {  	[tilespmem:s31], [sflag:$0x1] =	stream.indirect_vreg.gather [hbm4b:s5+s3], $0x80, v4, vm0, $0xb8;
	[tilespmem:$0x1E100] =	vst v63  }
0x183: {  	s9 =	simm.s32 $0x1100;
	v3 =	vadd.s32 v1, v3  }
0x184: {  	[tilespmem:s9], [sflag:$0x1] =	stream.indirect_vreg.gather [hbm4b:s6+s3], $0x80, v4, vm0, $0xb8;
	[tilespmem:$0x1E100] =	vst v63  }
0x185: {  	s31 =	simm.s32 $0x1900  }
0x186: {  	[tilespmem:s31], [sflag:$0x1] =	stream.indirect_vreg.gather [hbm4b:s7+s3], $0x80, v4, vm0, $0xb8;
	[tilespmem:$0x1E100] =	vst v63  }
0x187: {  	s9 =	simm.s32 $0x2100  }
0x188: {  	[tilespmem:s9], [sflag:$0x1] =	stream.indirect_vreg.gather [hbm4b:s1+s3], $0x80, v3, vm0, $0xb8;
	[tilespmem:$0x1E100] =	vst v63  }
0x189: {  	s31 =	simm.s32 $0x2900  }
0x18a: {  	[tilespmem:s31], [sflag:$0x1] =	stream.indirect_vreg.gather [hbm4b:s5+s3], $0x80, v3, vm0, $0xb8;
	[tilespmem:$0x1E100] =	vst v63  }
0x18b: {  	s9 =	simm.s32 $0x3100  }
0x18c: {  	[tilespmem:s9], [sflag:$0x1] =	stream.indirect_vreg.gather [hbm4b:s6+s3], $0x80, v3, vm0, $0xb8;
	[tilespmem:$0x1E100] =	vst v63  }
0x18d: {  	s31 =	simm.s32 $0x3900  }
0x18e: {  	[tilespmem:s31], [sflag:$0x1] =	stream.indirect_vreg.gather [hbm4b:s7+s3], $0x80, v3, vm0, $0xb8;
	[tilespmem:$0x1E100] =	vst v63  }
0x18f: {  	_ =	swait.ge [sflag:s25], $0x4000  }
0x190: {  	[sflag:s25] =	ssyncset.done $0x0  }
0x191: {  	s9 =	rddreg [dreg:$0x8];
	[sflag:s25] =	ssyncadd.s32 $0xFFFFC000  }
0x192: {  	[hbm4b:s9+s3] =	stream.linear.scatter [tilespmem:s26], [sflag:$0x3], $0x4000, $0x38;
	[tilespmem:$0x1E100] =	vst v63  }
0x193: {  	p0 =	sne.s32 s8, $0x1;
	_ =	swait.ge [sflag:s4], $0xE000  }
.Ltmp0:
0x194: {  	[sflag:s4] =	ssyncset.done $0x0;
	(pc) =	sbr.rel @p0 .LBB2_1-.Ltmp0, $4  }
0x195: {  	[sflag:s4] =	ssyncadd.s32 $0xFFFF2000  }
0x196: {  	_ =	swait.ge [sflag:s29], $0x4000  }
0x197: {  	[sflag:s29] =	ssyncset.done $0x0  }
0x198: {  	s8 =	sadd.s32 $0xFFFFFFFF, s8;
	[sflag:s29] =	ssyncadd.s32 $0xFFFFC000  }
0x199: {  	_ =	sfence.sel $0x180000  }
0x19a: {  	[bflag:$0x0] =	sbarrier.arrive $0xFFFF  }
0x19b: {  	_ =	strace $0x90000047  }
0x19c: {  	s0 =	stileid.u32;
	[bflag:$0x2] =	sbarrier.arrive $0xFFFF  }
0x19d: {  	p0 =	sne.s32 s0, $0x0;
	s0 =	rddreg [dreg:$0x3]  }
0x19e: {  	s0 =	sadd.s32 @!p0 $0x100000, s0  }
0x19f: {  	[sflag:s0] =	ssyncadd.tile.s32 @!p0 $0x1;
	_ =	shalt  }
.Lfunc_end2:
_tile_overlayer_lowered:
.L_overlay_start_2:
0x1a0: {  	(tag) =	ssettag $0x2  }
0x1a1: {  	s0 =	rddreg [dreg:$0x0];
	s2 =	stileid.u32  }
0x1a2: {  	s1 =	rddreg [dreg:$0x1];
	p0 =	sne.s32 s2, $0x0  }
0x1a3: {  	s3 =	rddreg [dreg:$0x2];
	[bflag:$0x3] =	sbarrier.arrive $0xFFFF;
	s2 =	simm.s32 @!p0 $0x1C05  }
0x1a4: {  	[timem:s3], [sflag:s2] =	dma.local @!p0 [hbm:s0], s1  }
0x1a5: {  	s0 =	simm.s32 @!p0 $0x5  }
0x1a6: {  	_ =	swait.ge @!p0 [sflag:s0], s1  }
0x1a7: {  	s1 =	ssub.s32 @!p0 $0x0, s1;
	[sflag:s0] =	ssyncset.done @!p0 $0x0  }
0x1a8: {  	[sflag:s0] =	ssyncadd.s32 @!p0 s1  }
0x1a9: {  	[bflag:$0x3] =	sbarrier.arrive $0xFFFF  }
0x1aa: {  	_ =	shalt  }

</sc_bundles>
